<compile_context>
chip_gen: v7x
topology: tpu7x:2x2x1
jax: 0.10.2.dev20260603
libtpu: 0.0.44.dev20260713+nightly
codegen_flags: <defaults>
</compile_context>

<pallas_src>
import functools

import jax
import jax.numpy as jnp
from jax import lax
from jax.experimental import pallas as pl
from jax.experimental.pallas import tpu as pltpu
from jax.experimental.pallas import tpu_sc as plsc

D = 128
N_PAD = 10240
NC, NS = 2, 16
NW = NC * NS
CHUNK = 128
ROWS_PER_TILE = N_PAD // NS

_MESH = plsc.VectorSubcoreMesh(core_axis_name="c", subcore_axis_name="s")


def _make_sc_agg(n_chunk: int):

    def body(h_hbm, src_hbm, dst_hbm, zero_hbm, agg_out,
             src_v, dst_v, rows_v, agg_sh, sem, sem2):
        c = lax.axis_index("c")
        s = lax.axis_index("s")
        w = c * NS + s
        pltpu.sync_copy(src_hbm.at[w], src_v)
        pltpu.sync_copy(dst_hbm.at[w], dst_v)
        r0 = s * ROWS_PER_TILE
        pltpu.sync_copy(zero_hbm.at[pl.ds(r0, ROWS_PER_TILE)],
                        agg_sh.at[pl.ds(r0, ROWS_PER_TILE)])
        plsc.subcore_barrier()

        def step(i, carry):
            half = CHUNK // 2
            cp0 = pltpu.async_copy(
                h_hbm.at[src_v.at[i, pl.ds(0, half)]],
                rows_v.at[pl.ds(0, half)], sem)
            cp1 = pltpu.async_copy(
                h_hbm.at[src_v.at[i, pl.ds(half, half)]],
                rows_v.at[pl.ds(half, half)], sem2)
            cp0.wait()
            cp1.wait()
            pltpu.sync_copy(rows_v, agg_sh.at[dst_v.at[i]], add=True)
            return carry

        lax.fori_loop(0, n_chunk, step, 0)
        plsc.subcore_barrier()
        pltpu.sync_copy(agg_sh.at[pl.ds(r0, ROWS_PER_TILE)],
                        agg_out.at[c, pl.ds(r0, ROWS_PER_TILE)])

    return pl.kernel(
        body,
        out_type=jax.ShapeDtypeStruct((NC, N_PAD, D), jnp.float32),
        mesh=_MESH,
        scratch_types=[
            pltpu.VMEM((n_chunk, CHUNK), jnp.int32),
            pltpu.VMEM((n_chunk, CHUNK), jnp.int32),
            pltpu.VMEM((CHUNK, D), jnp.float32),
            pltpu.VMEM_SHARED((N_PAD, D), jnp.float32),
            pltpu.SemaphoreType.DMA,
            pltpu.SemaphoreType.DMA,
        ],
        name="sc_agg")


def _make_sc_deg(n_chunk: int):

    def body(dst_hbm, zero_hbm, ones_hbm, deg_out, dst_v, ones_v, deg_sh):
        c = lax.axis_index("c")
        s = lax.axis_index("s")
        w = c * NS + s
        pltpu.sync_copy(dst_hbm.at[w], dst_v)
        pltpu.sync_copy(ones_hbm, ones_v)
        r0 = s * ROWS_PER_TILE
        pltpu.sync_copy(zero_hbm.at[pl.ds(r0, ROWS_PER_TILE)],
                        deg_sh.at[pl.ds(r0, ROWS_PER_TILE)])
        plsc.subcore_barrier()

        def step(i, carry):
            pltpu.sync_copy(ones_v, deg_sh.at[dst_v.at[i]], add=True)
            return carry

        lax.fori_loop(0, n_chunk, step, 0)
        plsc.subcore_barrier()
        pltpu.sync_copy(deg_sh.at[pl.ds(r0, ROWS_PER_TILE)],
                        deg_out.at[c, pl.ds(r0, ROWS_PER_TILE)])

    return pl.kernel(
        body,
        out_type=jax.ShapeDtypeStruct((NC, N_PAD, D), jnp.float32),
        mesh=_MESH,
        scratch_types=[
            pltpu.VMEM((n_chunk, CHUNK), jnp.int32),
            pltpu.VMEM((CHUNK, D), jnp.float32),
            pltpu.VMEM_SHARED((N_PAD, D), jnp.float32),
        ],
        name="sc_deg")


BM = 1024
_GRID = (N_PAD // BM,)
_row = lambda k: pl.BlockSpec((BM, k), lambda i: (i, 0))
_full = lambda shape: pl.BlockSpec(shape, lambda i: (0,) * len(shape))


def _tc_in_body(x_ref, w_ref, b_ref, o_ref):
    o_ref[...] = jnp.maximum(
        jnp.dot(x_ref[...], w_ref[...], preferred_element_type=jnp.float32)
        + b_ref[...], 0.0)


def _tc_in(x, wt, b):
    return pl.pallas_call(
        _tc_in_body, grid=_GRID,
        in_specs=[_row(D), _full((D, D)), _full((1, D))],
        out_specs=_row(D),
        out_shape=jax.ShapeDtypeStruct((N_PAD, D), jnp.float32),
    )(x, wt, b)


def _tc_sage_body(final, a0, a1, d0, d1, h_ref, wl, b, wr, *rest):
    deg = d0[...][:, 0:1] + d1[...][:, 0:1]
    mean = (a0[...] + a1[...]) / jnp.maximum(deg, 1.0)
    t = (jnp.dot(mean, wl[...], preferred_element_type=jnp.float32) + b[...]
         + jnp.dot(h_ref[...], wr[...], preferred_element_type=jnp.float32))
    if final:
        wc, o_ref = rest
        o_ref[...] = jnp.dot(jnp.maximum(t, 0.0), wc[...],
                             preferred_element_type=jnp.float32)
    else:
        (o_ref,) = rest
        o_ref[...] = t


def _tc_sage_mid(a0, a1, d0, d1, h, wlt, b, wrt):
    return pl.pallas_call(
        functools.partial(_tc_sage_body, False), grid=_GRID,
        in_specs=[_row(D), _row(D), _row(D), _row(D), _row(D),
                  _full((D, D)), _full((1, D)), _full((D, D))],
        out_specs=_row(D),
        out_shape=jax.ShapeDtypeStruct((N_PAD, D), jnp.float32),
    )(a0, a1, d0, d1, h, wlt, b, wrt)


def _tc_sage_out(a0, a1, d0, d1, h, wlt, b, wrt, wct, nclass):
    return pl.pallas_call(
        functools.partial(_tc_sage_body, True), grid=_GRID,
        in_specs=[_row(D), _row(D), _row(D), _row(D), _row(D),
                  _full((D, D)), _full((1, D)), _full((D, D)),
                  _full((D, nclass))],
        out_specs=_row(nclass),
        out_shape=jax.ShapeDtypeStruct((N_PAD, nclass), jnp.float32),
    )(a0, a1, d0, d1, h, wlt, b, wrt, wct)


def kernel(x, edge_index, W_lin, b_lin, W1l, b1, W1r, W2l, b2, W2r, Wc):
    n = x.shape[0]
    e = edge_index.shape[1]
    nclass = Wc.shape[0]
    n_chunk = -(-e // (NW * CHUNK))
    e_pad = NW * CHUNK * n_chunk
    sc_agg = _make_sc_agg(n_chunk)
    sc_deg = _make_sc_deg(n_chunk)

    src = jnp.concatenate(
        [edge_index[0], jnp.zeros((e_pad - e,), jnp.int32)]
    ).reshape(NW, n_chunk, CHUNK)
    dst = jnp.concatenate(
        [edge_index[1], jnp.full((e_pad - e,), N_PAD - 1, jnp.int32)]
    ).reshape(NW, n_chunk, CHUNK)
    xp = jnp.pad(x, ((0, N_PAD - n), (0, 0)))
    zero = jnp.zeros((N_PAD, D), jnp.float32)
    ones = jnp.ones((CHUNK, D), jnp.float32)

    h0 = _tc_in(xp, W_lin.T, b_lin.reshape(1, D))
    deg = sc_deg(dst, zero, ones)
    agg1 = sc_agg(h0, src, dst, zero)
    h1 = _tc_sage_mid(agg1[0], agg1[1], deg[0], deg[1], h0,
                      W1l.T, b1.reshape(1, D), W1r.T)
    agg2 = sc_agg(h1, src, dst, zero)
    out = _tc_sage_out(agg2[0], agg2[1], deg[0], deg[1], h1,
                       W2l.T, b2.reshape(1, D), W2r.T, Wc.T, nclass)
    return out[:n]

# --- scband reference (transcript-rebuilt; emitter-appended) ---
"""Pipeline reference for scband-my-model-63771674411489 (READ-ONLY COPY).

The authoritative reference and input builder live on the scoring server;
editing this copy changes nothing except your own understanding.
"""

import jax, jax.numpy as jnp
import numpy as np

N, E, DIN, H, C = 10000, 320000, 128, 128, 40

def setup_inputs(seed: int = 0) -> dict:
    key = jax.random.key(seed)
    ks = jax.random.split(key, 12)
    x = jax.random.normal(ks[0], (N, DIN), dtype=jnp.float32)
    edge_index = jax.random.randint(ks[1], (2, E), 0, N, dtype=jnp.int32)
    s = (2.0 / H) ** 0.5
    W_lin = jax.random.normal(ks[2], (H, DIN), dtype=jnp.float32) * (2.0 / DIN) ** 0.5
    b_lin = jnp.zeros((H,), jnp.float32)
    W1l = jax.random.normal(ks[3], (H, H), dtype=jnp.float32) * s
    b1 = jnp.zeros((H,), jnp.float32)
    W1r = jax.random.normal(ks[4], (H, H), dtype=jnp.float32) * s
    W2l = jax.random.normal(ks[5], (H, H), dtype=jnp.float32) * s
    b2 = jnp.zeros((H,), jnp.float32)
    W2r = jax.random.normal(ks[6], (H, H), dtype=jnp.float32) * s
    Wc = jax.random.normal(ks[7], (C, H), dtype=jnp.float32) * s
    return {"x": x, "edge_index": edge_index, "W_lin": W_lin, "b_lin": b_lin,
            "W1l": W1l, "b1": b1, "W1r": W1r, "W2l": W2l, "b2": b2, "W2r": W2r, "Wc": Wc}

def _sage(h, src, dst, Wl, bl, Wr):
    # PyG SAGEConv (mean aggr): out = lin_l(mean_{j->i} h_j) + lin_r(h_i)
    agg = jax.ops.segment_sum(h[src], dst, num_segments=N)
    deg = jax.ops.segment_sum(jnp.ones((src.shape[0],), h.dtype), dst, num_segments=N)
    mean = agg / jnp.clip(deg, 1.0)[:, None]
    return mean @ Wl.T + bl + h @ Wr.T

def reference(x, edge_index, W_lin, b_lin, W1l, b1, W1r, W2l, b2, W2r, Wc):
    src, dst = edge_index[0], edge_index[1]
    h = jax.nn.relu(x @ W_lin.T + b_lin)
    # linear module is truthy -> `if not self.linear` is False -> no relu between convs
    h = _sage(h, src, dst, W1l, b1, W1r)
    # layer_size=2 -> sagex loop runs 0 times
    h = _sage(h, src, dst, W2l, b2, W2r)
    h = jax.nn.relu(h)
    # weight.mm(x.t()).t() == x @ weight.T
    return h @ Wc.T

if __name__ == "__main__":
    import jax
    _d = setup_inputs()
    print(jax.jit(kernel)(*tuple(_d.values())))

</pallas_src>

<mosaic_0001>
#map = affine_map<(d0, d1) -> (0, 0)>
#map1 = affine_map<(d0, d1) -> (0, 0, 0)>
module attributes {stable_mosaic.version = 14 : i64} {
  func.func @sc_agg(%arg0: i32, %arg1: i32, %arg2: memref<10240x128xf32, #tpu.memory_space<hbm>>, %arg3: memref<32x79x128xi32, #tpu.memory_space<hbm>>, %arg4: memref<32x79x128xi32, #tpu.memory_space<hbm>>, %arg5: memref<10240x128xf32, #tpu.memory_space<hbm>>, %arg6: memref<2x10240x128xf32, #tpu.memory_space<hbm>>, %arg7: memref<79x128xi32, #tpu.memory_space<vmem>>, %arg8: memref<79x128xi32, #tpu.memory_space<vmem>>, %arg9: memref<128x128xf32, #tpu.memory_space<vmem>>, %arg10: memref<10240x128xf32, #tpu.memory_space<vmem_shared>>, %arg11: memref<!tpu.dma_semaphore, #tpu.memory_space<semaphore_mem>>, %arg12: memref<!tpu.dma_semaphore, #tpu.memory_space<semaphore_mem>>) attributes {dimension_semantics = [#tpu.dimension_semantics<core_parallel>, #tpu.dimension_semantics<subcore_parallel>], iteration_bounds = array<i64: 2, 16>, scalar_prefetch = 0 : i64, scratch_operands = 6 : i64, tpu.core_type = #tpu.core_type<sc_vector_subcore>, window_params = [{transform_indices = #map}, {transform_indices = #map1}, {transform_indices = #map1}, {transform_indices = #map}, {transform_indices = #map1}]} {
    %mul3A = arith.constant 16 : i32
    %mul3A_0 = arith.muli %arg0, %mul3A : i32
    %add3A = arith.addi %mul3A_0, %arg1 : i32
    "tpu.region"() ({
      %run_scoped3A = tpu.sem_alloc : memref<!tpu.dma_semaphore, #tpu.memory_space<semaphore_mem>>
      %dma_start3A = arith.constant 0 : i32
      %dma_start3A_9 = arith.constant 0 : i32
      %dma_start3A_10 = tpu.memref_slice %arg3[%add3A, %dma_start3A, %dma_start3A_9] : memref<32x79x128xi32, #tpu.memory_space<hbm>> -> memref<1x79x128xi32, #tpu.memory_space<hbm>>
      %dma_start3A_11 = tpu.memref_squeeze %dma_start3A_10 : memref<1x79x128xi32, #tpu.memory_space<hbm>> -> memref<79x128xi32, #tpu.memory_space<hbm>>
      %dma_start3A_12 = arith.constant 0 : i32
      %dma_start3A_13 = arith.constant 0 : i32
      %dma_start3A_14 = tpu.memref_slice %arg3[%add3A, %dma_start3A_12, %dma_start3A_13] : memref<32x79x128xi32, #tpu.memory_space<hbm>> -> memref<1x79x128xi32, #tpu.memory_space<hbm>>
      %dma_start3A_15 = tpu.memref_squeeze %dma_start3A_14 : memref<1x79x128xi32, #tpu.memory_space<hbm>> -> memref<79x128xi32, #tpu.memory_space<hbm>>
      tpu.enqueue_dma source(%dma_start3A_15 : memref<79x128xi32, #tpu.memory_space<hbm>>) target(%arg7 : memref<79x128xi32, #tpu.memory_space<vmem>>) target_semaphore(%run_scoped3A : memref<!tpu.dma_semaphore, #tpu.memory_space<semaphore_mem>>)
      %dma_wait3A = arith.constant 0 : i32
      %dma_wait3A_16 = arith.constant 0 : i32
      %dma_wait3A_17 = tpu.memref_slice %arg3[%add3A, %dma_wait3A, %dma_wait3A_16] : memref<32x79x128xi32, #tpu.memory_space<hbm>> -> memref<1x79x128xi32, #tpu.memory_space<hbm>>
      %dma_wait3A_18 = tpu.memref_squeeze %dma_wait3A_17 : memref<1x79x128xi32, #tpu.memory_space<hbm>> -> memref<79x128xi32, #tpu.memory_space<hbm>>
      %dma_wait3A_19 = arith.constant 0 : i32
      %dma_wait3A_20 = arith.constant 0 : i32
      %dma_wait3A_21 = tpu.memref_slice %arg3[%add3A, %dma_wait3A_19, %dma_wait3A_20] : memref<32x79x128xi32, #tpu.memory_space<hbm>> -> memref<1x79x128xi32, #tpu.memory_space<hbm>>
      %dma_wait3A_22 = tpu.memref_squeeze %dma_wait3A_21 : memref<1x79x128xi32, #tpu.memory_space<hbm>> -> memref<79x128xi32, #tpu.memory_space<hbm>>
      tpu.wait_dma2 semaphore(%run_scoped3A : memref<!tpu.dma_semaphore, #tpu.memory_space<semaphore_mem>>) src(%dma_wait3A_22 : memref<79x128xi32, #tpu.memory_space<hbm>>) dst(%arg7 : memref<79x128xi32, #tpu.memory_space<vmem>>)
      tpu.yield
    }) : () -> ()
    "tpu.region"() ({
      %run_scoped3A = tpu.sem_alloc : memref<!tpu.dma_semaphore, #tpu.memory_space<semaphore_mem>>
      %dma_start3A = arith.constant 0 : i32
      %dma_start3A_9 = arith.constant 0 : i32
      %dma_start3A_10 = tpu.memref_slice %arg4[%add3A, %dma_start3A, %dma_start3A_9] : memref<32x79x128xi32, #tpu.memory_space<hbm>> -> memref<1x79x128xi32, #tpu.memory_space<hbm>>
      %dma_start3A_11 = tpu.memref_squeeze %dma_start3A_10 : memref<1x79x128xi32, #tpu.memory_space<hbm>> -> memref<79x128xi32, #tpu.memory_space<hbm>>
      %dma_start3A_12 = arith.constant 0 : i32
      %dma_start3A_13 = arith.constant 0 : i32
      %dma_start3A_14 = tpu.memref_slice %arg4[%add3A, %dma_start3A_12, %dma_start3A_13] : memref<32x79x128xi32, #tpu.memory_space<hbm>> -> memref<1x79x128xi32, #tpu.memory_space<hbm>>
      %dma_start3A_15 = tpu.memref_squeeze %dma_start3A_14 : memref<1x79x128xi32, #tpu.memory_space<hbm>> -> memref<79x128xi32, #tpu.memory_space<hbm>>
      tpu.enqueue_dma source(%dma_start3A_15 : memref<79x128xi32, #tpu.memory_space<hbm>>) target(%arg8 : memref<79x128xi32, #tpu.memory_space<vmem>>) target_semaphore(%run_scoped3A : memref<!tpu.dma_semaphore, #tpu.memory_space<semaphore_mem>>)
      %dma_wait3A = arith.constant 0 : i32
      %dma_wait3A_16 = arith.constant 0 : i32
      %dma_wait3A_17 = tpu.memref_slice %arg4[%add3A, %dma_wait3A, %dma_wait3A_16] : memref<32x79x128xi32, #tpu.memory_space<hbm>> -> memref<1x79x128xi32, #tpu.memory_space<hbm>>
      %dma_wait3A_18 = tpu.memref_squeeze %dma_wait3A_17 : memref<1x79x128xi32, #tpu.memory_space<hbm>> -> memref<79x128xi32, #tpu.memory_space<hbm>>
      %dma_wait3A_19 = arith.constant 0 : i32
      %dma_wait3A_20 = arith.constant 0 : i32
      %dma_wait3A_21 = tpu.memref_slice %arg4[%add3A, %dma_wait3A_19, %dma_wait3A_20] : memref<32x79x128xi32, #tpu.memory_space<hbm>> -> memref<1x79x128xi32, #tpu.memory_space<hbm>>
      %dma_wait3A_22 = tpu.memref_squeeze %dma_wait3A_21 : memref<1x79x128xi32, #tpu.memory_space<hbm>> -> memref<79x128xi32, #tpu.memory_space<hbm>>
      tpu.wait_dma2 semaphore(%run_scoped3A : memref<!tpu.dma_semaphore, #tpu.memory_space<semaphore_mem>>) src(%dma_wait3A_22 : memref<79x128xi32, #tpu.memory_space<hbm>>) dst(%arg8 : memref<79x128xi32, #tpu.memory_space<vmem>>)
      tpu.yield
    }) : () -> ()
    %mul3A_1 = arith.constant 640 : i32
    %mul3A_2 = arith.muli %arg1, %mul3A_1 : i32
    "tpu.region"() ({
      %run_scoped3A = tpu.sem_alloc : memref<!tpu.dma_semaphore, #tpu.memory_space<semaphore_mem>>
      %dma_start3A = arith.constant 0 : i32
      %dma_start3A_9 = tpu.memref_slice %arg10[%mul3A_2, %dma_start3A] : memref<10240x128xf32, #tpu.memory_space<vmem_shared>> -> memref<640x128xf32, #tpu.memory_space<vmem_shared>>
      %dma_start3A_10 = arith.constant 0 : i32
      %dma_start3A_11 = tpu.memref_slice %arg5[%mul3A_2, %dma_start3A_10] : memref<10240x128xf32, #tpu.memory_space<hbm>> -> memref<640x128xf32, #tpu.memory_space<hbm>>
      tpu.enqueue_dma source(%dma_start3A_11 : memref<640x128xf32, #tpu.memory_space<hbm>>) target(%dma_start3A_9 : memref<640x128xf32, #tpu.memory_space<vmem_shared>>) target_semaphore(%run_scoped3A : memref<!tpu.dma_semaphore, #tpu.memory_space<semaphore_mem>>)
      %dma_wait3A = arith.constant 0 : i32
      %dma_wait3A_12 = tpu.memref_slice %arg10[%mul3A_2, %dma_wait3A] : memref<10240x128xf32, #tpu.memory_space<vmem_shared>> -> memref<640x128xf32, #tpu.memory_space<vmem_shared>>
      %dma_wait3A_13 = arith.constant 0 : i32
      %dma_wait3A_14 = tpu.memref_slice %arg5[%mul3A_2, %dma_wait3A_13] : memref<10240x128xf32, #tpu.memory_space<hbm>> -> memref<640x128xf32, #tpu.memory_space<hbm>>
      tpu.wait_dma2 semaphore(%run_scoped3A : memref<!tpu.dma_semaphore, #tpu.memory_space<semaphore_mem>>) src(%dma_wait3A_14 : memref<640x128xf32, #tpu.memory_space<hbm>>) dst(%dma_wait3A_12 : memref<640x128xf32, #tpu.memory_space<vmem_shared>>)
      tpu.yield
    }) : () -> ()
    %barrier3A = arith.constant 0 : index
    tpu.barrier barrier_id(%barrier3A)
    %scan3A = arith.constant 0 : i32
    %scan3A_3 = arith.constant 0 : i32
    %scan3A_4 = arith.constant 79 : i32
    %scan3A_5 = arith.addi %scan3A_3, %scan3A_4 : i32
    %scan3A_6 = arith.constant 1 : i32
    scf.for %scan3A_9 = %scan3A_3 to %scan3A_5 step %scan3A_6  : i32 {
      %dma_start3A = arith.constant 0 : i32
      %dma_start3A_10 = arith.constant 0 : i32
      %dma_start3A_11 = tpu.memref_slice %arg9[%dma_start3A, %dma_start3A_10] : memref<128x128xf32, #tpu.memory_space<vmem>> -> memref<64x128xf32, #tpu.memory_space<vmem>>
      %dma_start3A_12 = arith.constant 0 : i32
      %dma_start3A_13 = tpu.memref_slice %arg7[%scan3A_9, %dma_start3A_12] : memref<79x128xi32, #tpu.memory_space<vmem>> -> memref<1x64xi32, #tpu.memory_space<vmem>>
      %dma_start3A_14 = tpu.memref_squeeze %dma_start3A_13 : memref<1x64xi32, #tpu.memory_space<vmem>> -> memref<64xi32, #tpu.memory_space<vmem>>
      %dma_start3A_15 = arith.constant 0 : i32
      %dma_start3A_16 = arith.constant 0 : i32
      %dma_start3A_17 = tpu.memref_slice %arg2[%dma_start3A_15, %dma_start3A_16] : memref<10240x128xf32, #tpu.memory_space<hbm>> -> memref<10240x128xf32, #tpu.memory_space<hbm>>
      tpu.enqueue_indirect_dma source(%dma_start3A_17 : memref<10240x128xf32, #tpu.memory_space<hbm>>) target(%dma_start3A_11 : memref<64x128xf32, #tpu.memory_space<vmem>>) offsets(%dma_start3A_14 : memref<64xi32, #tpu.memory_space<vmem>>) semaphore(%arg11 : memref<!tpu.dma_semaphore, #tpu.memory_space<semaphore_mem>>)
      %dma_start3A_18 = arith.constant 64 : i32
      %dma_start3A_19 = arith.constant 0 : i32
      %dma_start3A_20 = tpu.memref_slice %arg9[%dma_start3A_18, %dma_start3A_19] : memref<128x128xf32, #tpu.memory_space<vmem>> -> memref<64x128xf32, #tpu.memory_space<vmem>>
      %dma_start3A_21 = arith.constant 64 : i32
      %dma_start3A_22 = tpu.memref_slice %arg7[%scan3A_9, %dma_start3A_21] : memref<79x128xi32, #tpu.memory_space<vmem>> -> memref<1x64xi32, #tpu.memory_space<vmem>>
      %dma_start3A_23 = tpu.memref_squeeze %dma_start3A_22 : memref<1x64xi32, #tpu.memory_space<vmem>> -> memref<64xi32, #tpu.memory_space<vmem>>
      %dma_start3A_24 = arith.constant 0 : i32
      %dma_start3A_25 = arith.constant 0 : i32
      %dma_start3A_26 = tpu.memref_slice %arg2[%dma_start3A_24, %dma_start3A_25] : memref<10240x128xf32, #tpu.memory_space<hbm>> -> memref<10240x128xf32, #tpu.memory_space<hbm>>
      tpu.enqueue_indirect_dma source(%dma_start3A_26 : memref<10240x128xf32, #tpu.memory_space<hbm>>) target(%dma_start3A_20 : memref<64x128xf32, #tpu.memory_space<vmem>>) offsets(%dma_start3A_23 : memref<64xi32, #tpu.memory_space<vmem>>) semaphore(%arg12 : memref<!tpu.dma_semaphore, #tpu.memory_space<semaphore_mem>>)
      %dma_wait3A = arith.constant 0 : i32
      %dma_wait3A_27 = arith.constant 0 : i32
      %dma_wait3A_28 = tpu.memref_slice %arg9[%dma_wait3A, %dma_wait3A_27] : memref<128x128xf32, #tpu.memory_space<vmem>> -> memref<64x128xf32, #tpu.memory_space<vmem>>
      %dma_wait3A_29 = arith.constant 0 : i32
      %dma_wait3A_30 = tpu.memref_slice %arg7[%scan3A_9, %dma_wait3A_29] : memref<79x128xi32, #tpu.memory_space<vmem>> -> memref<1x64xi32, #tpu.memory_space<vmem>>
      %dma_wait3A_31 = tpu.memref_squeeze %dma_wait3A_30 : memref<1x64xi32, #tpu.memory_space<vmem>> -> memref<64xi32, #tpu.memory_space<vmem>>
      %dma_wait3A_32 = arith.constant 0 : i32
      %dma_wait3A_33 = arith.constant 0 : i32
      %dma_wait3A_34 = tpu.memref_slice %arg2[%dma_wait3A_32, %dma_wait3A_33] : memref<10240x128xf32, #tpu.memory_space<hbm>> -> memref<10240x128xf32, #tpu.memory_space<hbm>>
      tpu.wait_indirect_dma semaphore(%arg11 : memref<!tpu.dma_semaphore, #tpu.memory_space<semaphore_mem>>) src(%dma_wait3A_34 : memref<10240x128xf32, #tpu.memory_space<hbm>>) dst(%dma_wait3A_28 : memref<64x128xf32, #tpu.memory_space<vmem>>)
      %dma_wait3A_35 = arith.constant 64 : i32
      %dma_wait3A_36 = arith.constant 0 : i32
      %dma_wait3A_37 = tpu.memref_slice %arg9[%dma_wait3A_35, %dma_wait3A_36] : memref<128x128xf32, #tpu.memory_space<vmem>> -> memref<64x128xf32, #tpu.memory_space<vmem>>
      %dma_wait3A_38 = arith.constant 64 : i32
      %dma_wait3A_39 = tpu.memref_slice %arg7[%scan3A_9, %dma_wait3A_38] : memref<79x128xi32, #tpu.memory_space<vmem>> -> memref<1x64xi32, #tpu.memory_space<vmem>>
      %dma_wait3A_40 = tpu.memref_squeeze %dma_wait3A_39 : memref<1x64xi32, #tpu.memory_space<vmem>> -> memref<64xi32, #tpu.memory_space<vmem>>
      %dma_wait3A_41 = arith.constant 0 : i32
      %dma_wait3A_42 = arith.constant 0 : i32
      %dma_wait3A_43 = tpu.memref_slice %arg2[%dma_wait3A_41, %dma_wait3A_42] : memref<10240x128xf32, #tpu.memory_space<hbm>> -> memref<10240x128xf32, #tpu.memory_space<hbm>>
      tpu.wait_indirect_dma semaphore(%arg12 : memref<!tpu.dma_semaphore, #tpu.memory_space<semaphore_mem>>) src(%dma_wait3A_43 : memref<10240x128xf32, #tpu.memory_space<hbm>>) dst(%dma_wait3A_37 : memref<64x128xf32, #tpu.memory_space<vmem>>)
      "tpu.region"() ({
        %run_scoped3A = tpu.sem_alloc : memref<!tpu.dma_semaphore, #tpu.memory_space<semaphore_mem>>
        %dma_start3A_44 = arith.constant 0 : i32
        %dma_start3A_45 = tpu.memref_slice %arg8[%scan3A_9, %dma_start3A_44] : memref<79x128xi32, #tpu.memory_space<vmem>> -> memref<1x128xi32, #tpu.memory_space<vmem>>
        %dma_start3A_46 = tpu.memref_squeeze %dma_start3A_45 : memref<1x128xi32, #tpu.memory_space<vmem>> -> memref<128xi32, #tpu.memory_space<vmem>>
        %dma_start3A_47 = arith.constant 0 : i32
        %dma_start3A_48 = arith.constant 0 : i32
        %dma_start3A_49 = tpu.memref_slice %arg10[%dma_start3A_47, %dma_start3A_48] : memref<10240x128xf32, #tpu.memory_space<vmem_shared>> -> memref<10240x128xf32, #tpu.memory_space<vmem_shared>>
        tpu.enqueue_indirect_dma source(%arg9 : memref<128x128xf32, #tpu.memory_space<vmem>>) target(%dma_start3A_49 : memref<10240x128xf32, #tpu.memory_space<vmem_shared>>) offsets(%dma_start3A_46 : memref<128xi32, #tpu.memory_space<vmem>>) semaphore(%run_scoped3A : memref<!tpu.dma_semaphore, #tpu.memory_space<semaphore_mem>>) {add = true}
        %dma_wait3A_50 = arith.constant 0 : i32
        %dma_wait3A_51 = tpu.memref_slice %arg8[%scan3A_9, %dma_wait3A_50] : memref<79x128xi32, #tpu.memory_space<vmem>> -> memref<1x128xi32, #tpu.memory_space<vmem>>
        %dma_wait3A_52 = tpu.memref_squeeze %dma_wait3A_51 : memref<1x128xi32, #tpu.memory_space<vmem>> -> memref<128xi32, #tpu.memory_space<vmem>>
        %dma_wait3A_53 = arith.constant 0 : i32
        %dma_wait3A_54 = arith.constant 0 : i32
        %dma_wait3A_55 = tpu.memref_slice %arg10[%dma_wait3A_53, %dma_wait3A_54] : memref<10240x128xf32, #tpu.memory_space<vmem_shared>> -> memref<10240x128xf32, #tpu.memory_space<vmem_shared>>
        tpu.wait_indirect_dma semaphore(%run_scoped3A : memref<!tpu.dma_semaphore, #tpu.memory_space<semaphore_mem>>) src(%arg9 : memref<128x128xf32, #tpu.memory_space<vmem>>) dst(%dma_wait3A_55 : memref<10240x128xf32, #tpu.memory_space<vmem_shared>>)
        tpu.yield
      }) : () -> ()
    }
    %scan3A_7 = arith.constant 79 : i32
    %barrier3A_8 = arith.constant 0 : index
    tpu.barrier barrier_id(%barrier3A_8)
    "tpu.region"() ({
      %run_scoped3A = tpu.sem_alloc : memref<!tpu.dma_semaphore, #tpu.memory_space<semaphore_mem>>
      %dma_start3A = arith.constant 0 : i32
      %dma_start3A_9 = tpu.memref_slice %arg6[%arg0, %mul3A_2, %dma_start3A] : memref<2x10240x128xf32, #tpu.memory_space<hbm>> -> memref<1x640x128xf32, #tpu.memory_space<hbm>>
      %dma_start3A_10 = tpu.memref_squeeze %dma_start3A_9 : memref<1x640x128xf32, #tpu.memory_space<hbm>> -> memref<640x128xf32, #tpu.memory_space<hbm>>
      %dma_start3A_11 = arith.constant 0 : i32
      %dma_start3A_12 = tpu.memref_slice %arg10[%mul3A_2, %dma_start3A_11] : memref<10240x128xf32, #tpu.memory_space<vmem_shared>> -> memref<640x128xf32, #tpu.memory_space<vmem_shared>>
      tpu.enqueue_dma source(%dma_start3A_12 : memref<640x128xf32, #tpu.memory_space<vmem_shared>>) target(%dma_start3A_10 : memref<640x128xf32, #tpu.memory_space<hbm>>) target_semaphore(%run_scoped3A : memref<!tpu.dma_semaphore, #tpu.memory_space<semaphore_mem>>)
      %dma_wait3A = arith.constant 0 : i32
      %dma_wait3A_13 = tpu.memref_slice %arg6[%arg0, %mul3A_2, %dma_wait3A] : memref<2x10240x128xf32, #tpu.memory_space<hbm>> -> memref<1x640x128xf32, #tpu.memory_space<hbm>>
      %dma_wait3A_14 = tpu.memref_squeeze %dma_wait3A_13 : memref<1x640x128xf32, #tpu.memory_space<hbm>> -> memref<640x128xf32, #tpu.memory_space<hbm>>
      %dma_wait3A_15 = arith.constant 0 : i32
      %dma_wait3A_16 = tpu.memref_slice %arg10[%mul3A_2, %dma_wait3A_15] : memref<10240x128xf32, #tpu.memory_space<vmem_shared>> -> memref<640x128xf32, #tpu.memory_space<vmem_shared>>
      tpu.wait_dma2 semaphore(%run_scoped3A : memref<!tpu.dma_semaphore, #tpu.memory_space<semaphore_mem>>) src(%dma_wait3A_16 : memref<640x128xf32, #tpu.memory_space<vmem_shared>>) dst(%dma_wait3A_14 : memref<640x128xf32, #tpu.memory_space<hbm>>)
      tpu.yield
    }) : () -> ()
    return
  }
}

#map = affine_map<(d0, d1) -> (0, 0)>
#map1 = affine_map<(d0, d1) -> (0, 0, 0)>
module attributes {stable_mosaic.version = 14 : i64} {
  func.func @sc_agg(%arg0: i32, %arg1: i32, %arg2: memref<10240x128xf32, #tpu.memory_space<hbm>>, %arg3: memref<32x79x128xi32, #tpu.memory_space<hbm>>, %arg4: memref<32x79x128xi32, #tpu.memory_space<hbm>>, %arg5: memref<10240x128xf32, #tpu.memory_space<hbm>>, %arg6: memref<2x10240x128xf32, #tpu.memory_space<hbm>>, %arg7: memref<79x128xi32, #tpu.memory_space<vmem>>, %arg8: memref<79x128xi32, #tpu.memory_space<vmem>>, %arg9: memref<128x128xf32, #tpu.memory_space<vmem>>, %arg10: memref<10240x128xf32, #tpu.memory_space<vmem_shared>>, %arg11: memref<!tpu.dma_semaphore, #tpu.memory_space<semaphore_mem>>, %arg12: memref<!tpu.dma_semaphore, #tpu.memory_space<semaphore_mem>>) attributes {dimension_semantics = [#tpu.dimension_semantics<core_parallel>, #tpu.dimension_semantics<subcore_parallel>], iteration_bounds = array<i64: 2, 16>, scalar_prefetch = 0 : i64, scratch_operands = 6 : i64, tpu.core_type = #tpu.core_type<sc_vector_subcore>, window_params = [{transform_indices = #map}, {transform_indices = #map1}, {transform_indices = #map1}, {transform_indices = #map}, {transform_indices = #map1}]} {
    %mul3A = arith.constant 16 : i32
    %mul3A_0 = arith.muli %arg0, %mul3A : i32
    %add3A = arith.addi %mul3A_0, %arg1 : i32
    "tpu.region"() ({
      %run_scoped3A = tpu.sem_alloc : memref<!tpu.dma_semaphore, #tpu.memory_space<semaphore_mem>>
      %dma_start3A = arith.constant 0 : i32
      %dma_start3A_9 = arith.constant 0 : i32
      %dma_start3A_10 = tpu.memref_slice %arg3[%add3A, %dma_start3A, %dma_start3A_9] : memref<32x79x128xi32, #tpu.memory_space<hbm>> -> memref<1x79x128xi32, #tpu.memory_space<hbm>>
      %dma_start3A_11 = tpu.memref_squeeze %dma_start3A_10 : memref<1x79x128xi32, #tpu.memory_space<hbm>> -> memref<79x128xi32, #tpu.memory_space<hbm>>
      %dma_start3A_12 = arith.constant 0 : i32
      %dma_start3A_13 = arith.constant 0 : i32
      %dma_start3A_14 = tpu.memref_slice %arg3[%add3A, %dma_start3A_12, %dma_start3A_13] : memref<32x79x128xi32, #tpu.memory_space<hbm>> -> memref<1x79x128xi32, #tpu.memory_space<hbm>>
      %dma_start3A_15 = tpu.memref_squeeze %dma_start3A_14 : memref<1x79x128xi32, #tpu.memory_space<hbm>> -> memref<79x128xi32, #tpu.memory_space<hbm>>
      tpu.enqueue_dma source(%dma_start3A_15 : memref<79x128xi32, #tpu.memory_space<hbm>>) target(%arg7 : memref<79x128xi32, #tpu.memory_space<vmem>>) target_semaphore(%run_scoped3A : memref<!tpu.dma_semaphore, #tpu.memory_space<semaphore_mem>>)
      %dma_wait3A = arith.constant 0 : i32
      %dma_wait3A_16 = arith.constant 0 : i32
      %dma_wait3A_17 = tpu.memref_slice %arg3[%add3A, %dma_wait3A, %dma_wait3A_16] : memref<32x79x128xi32, #tpu.memory_space<hbm>> -> memref<1x79x128xi32, #tpu.memory_space<hbm>>
      %dma_wait3A_18 = tpu.memref_squeeze %dma_wait3A_17 : memref<1x79x128xi32, #tpu.memory_space<hbm>> -> memref<79x128xi32, #tpu.memory_space<hbm>>
      %dma_wait3A_19 = arith.constant 0 : i32
      %dma_wait3A_20 = arith.constant 0 : i32
      %dma_wait3A_21 = tpu.memref_slice %arg3[%add3A, %dma_wait3A_19, %dma_wait3A_20] : memref<32x79x128xi32, #tpu.memory_space<hbm>> -> memref<1x79x128xi32, #tpu.memory_space<hbm>>
      %dma_wait3A_22 = tpu.memref_squeeze %dma_wait3A_21 : memref<1x79x128xi32, #tpu.memory_space<hbm>> -> memref<79x128xi32, #tpu.memory_space<hbm>>
      tpu.wait_dma2 semaphore(%run_scoped3A : memref<!tpu.dma_semaphore, #tpu.memory_space<semaphore_mem>>) src(%dma_wait3A_22 : memref<79x128xi32, #tpu.memory_space<hbm>>) dst(%arg7 : memref<79x128xi32, #tpu.memory_space<vmem>>)
      tpu.yield
    }) : () -> ()
    "tpu.region"() ({
      %run_scoped3A = tpu.sem_alloc : memref<!tpu.dma_semaphore, #tpu.memory_space<semaphore_mem>>
      %dma_start3A = arith.constant 0 : i32
      %dma_start3A_9 = arith.constant 0 : i32
      %dma_start3A_10 = tpu.memref_slice %arg4[%add3A, %dma_start3A, %dma_start3A_9] : memref<32x79x128xi32, #tpu.memory_space<hbm>> -> memref<1x79x128xi32, #tpu.memory_space<hbm>>
      %dma_start3A_11 = tpu.memref_squeeze %dma_start3A_10 : memref<1x79x128xi32, #tpu.memory_space<hbm>> -> memref<79x128xi32, #tpu.memory_space<hbm>>
      %dma_start3A_12 = arith.constant 0 : i32
      %dma_start3A_13 = arith.constant 0 : i32
      %dma_start3A_14 = tpu.memref_slice %arg4[%add3A, %dma_start3A_12, %dma_start3A_13] : memref<32x79x128xi32, #tpu.memory_space<hbm>> -> memref<1x79x128xi32, #tpu.memory_space<hbm>>
      %dma_start3A_15 = tpu.memref_squeeze %dma_start3A_14 : memref<1x79x128xi32, #tpu.memory_space<hbm>> -> memref<79x128xi32, #tpu.memory_space<hbm>>
      tpu.enqueue_dma source(%dma_start3A_15 : memref<79x128xi32, #tpu.memory_space<hbm>>) target(%arg8 : memref<79x128xi32, #tpu.memory_space<vmem>>) target_semaphore(%run_scoped3A : memref<!tpu.dma_semaphore, #tpu.memory_space<semaphore_mem>>)
      %dma_wait3A = arith.constant 0 : i32
      %dma_wait3A_16 = arith.constant 0 : i32
      %dma_wait3A_17 = tpu.memref_slice %arg4[%add3A, %dma_wait3A, %dma_wait3A_16] : memref<32x79x128xi32, #tpu.memory_space<hbm>> -> memref<1x79x128xi32, #tpu.memory_space<hbm>>
      %dma_wait3A_18 = tpu.memref_squeeze %dma_wait3A_17 : memref<1x79x128xi32, #tpu.memory_space<hbm>> -> memref<79x128xi32, #tpu.memory_space<hbm>>
      %dma_wait3A_19 = arith.constant 0 : i32
      %dma_wait3A_20 = arith.constant 0 : i32
      %dma_wait3A_21 = tpu.memref_slice %arg4[%add3A, %dma_wait3A_19, %dma_wait3A_20] : memref<32x79x128xi32, #tpu.memory_space<hbm>> -> memref<1x79x128xi32, #tpu.memory_space<hbm>>
      %dma_wait3A_22 = tpu.memref_squeeze %dma_wait3A_21 : memref<1x79x128xi32, #tpu.memory_space<hbm>> -> memref<79x128xi32, #tpu.memory_space<hbm>>
      tpu.wait_dma2 semaphore(%run_scoped3A : memref<!tpu.dma_semaphore, #tpu.memory_space<semaphore_mem>>) src(%dma_wait3A_22 : memref<79x128xi32, #tpu.memory_space<hbm>>) dst(%arg8 : memref<79x128xi32, #tpu.memory_space<vmem>>)
      tpu.yield
    }) : () -> ()
    %mul3A_1 = arith.constant 640 : i32
    %mul3A_2 = arith.muli %arg1, %mul3A_1 : i32
    "tpu.region"() ({
      %run_scoped3A = tpu.sem_alloc : memref<!tpu.dma_semaphore, #tpu.memory_space<semaphore_mem>>
      %dma_start3A = arith.constant 0 : i32
      %dma_start3A_9 = tpu.memref_slice %arg10[%mul3A_2, %dma_start3A] : memref<10240x128xf32, #tpu.memory_space<vmem_shared>> -> memref<640x128xf32, #tpu.memory_space<vmem_shared>>
      %dma_start3A_10 = arith.constant 0 : i32
      %dma_start3A_11 = tpu.memref_slice %arg5[%mul3A_2, %dma_start3A_10] : memref<10240x128xf32, #tpu.memory_space<hbm>> -> memref<640x128xf32, #tpu.memory_space<hbm>>
      tpu.enqueue_dma source(%dma_start3A_11 : memref<640x128xf32, #tpu.memory_space<hbm>>) target(%dma_start3A_9 : memref<640x128xf32, #tpu.memory_space<vmem_shared>>) target_semaphore(%run_scoped3A : memref<!tpu.dma_semaphore, #tpu.memory_space<semaphore_mem>>)
      %dma_wait3A = arith.constant 0 : i32
      %dma_wait3A_12 = tpu.memref_slice %arg10[%mul3A_2, %dma_wait3A] : memref<10240x128xf32, #tpu.memory_space<vmem_shared>> -> memref<640x128xf32, #tpu.memory_space<vmem_shared>>
      %dma_wait3A_13 = arith.constant 0 : i32
      %dma_wait3A_14 = tpu.memref_slice %arg5[%mul3A_2, %dma_wait3A_13] : memref<10240x128xf32, #tpu.memory_space<hbm>> -> memref<640x128xf32, #tpu.memory_space<hbm>>
      tpu.wait_dma2 semaphore(%run_scoped3A : memref<!tpu.dma_semaphore, #tpu.memory_space<semaphore_mem>>) src(%dma_wait3A_14 : memref<640x128xf32, #tpu.memory_space<hbm>>) dst(%dma_wait3A_12 : memref<640x128xf32, #tpu.memory_space<vmem_shared>>)
      tpu.yield
    }) : () -> ()
    %barrier3A = arith.constant 0 : index
    tpu.barrier barrier_id(%barrier3A)
    %scan3A = arith.constant 0 : i32
    %scan3A_3 = arith.constant 0 : i32
    %scan3A_4 = arith.constant 79 : i32
    %scan3A_5 = arith.addi %scan3A_3, %scan3A_4 : i32
    %scan3A_6 = arith.constant 1 : i32
    scf.for %scan3A_9 = %scan3A_3 to %scan3A_5 step %scan3A_6  : i32 {
      %dma_start3A = arith.constant 0 : i32
      %dma_start3A_10 = arith.constant 0 : i32
      %dma_start3A_11 = tpu.memref_slice %arg9[%dma_start3A, %dma_start3A_10] : memref<128x128xf32, #tpu.memory_space<vmem>> -> memref<64x128xf32, #tpu.memory_space<vmem>>
      %dma_start3A_12 = arith.constant 0 : i32
      %dma_start3A_13 = tpu.memref_slice %arg7[%scan3A_9, %dma_start3A_12] : memref<79x128xi32, #tpu.memory_space<vmem>> -> memref<1x64xi32, #tpu.memory_space<vmem>>
      %dma_start3A_14 = tpu.memref_squeeze %dma_start3A_13 : memref<1x64xi32, #tpu.memory_space<vmem>> -> memref<64xi32, #tpu.memory_space<vmem>>
      %dma_start3A_15 = arith.constant 0 : i32
      %dma_start3A_16 = arith.constant 0 : i32
      %dma_start3A_17 = tpu.memref_slice %arg2[%dma_start3A_15, %dma_start3A_16] : memref<10240x128xf32, #tpu.memory_space<hbm>> -> memref<10240x128xf32, #tpu.memory_space<hbm>>
      tpu.enqueue_indirect_dma source(%dma_start3A_17 : memref<10240x128xf32, #tpu.memory_space<hbm>>) target(%dma_start3A_11 : memref<64x128xf32, #tpu.memory_space<vmem>>) offsets(%dma_start3A_14 : memref<64xi32, #tpu.memory_space<vmem>>) semaphore(%arg11 : memref<!tpu.dma_semaphore, #tpu.memory_space<semaphore_mem>>)
      %dma_start3A_18 = arith.constant 64 : i32
      %dma_start3A_19 = arith.constant 0 : i32
      %dma_start3A_20 = tpu.memref_slice %arg9[%dma_start3A_18, %dma_start3A_19] : memref<128x128xf32, #tpu.memory_space<vmem>> -> memref<64x128xf32, #tpu.memory_space<vmem>>
      %dma_start3A_21 = arith.constant 64 : i32
      %dma_start3A_22 = tpu.memref_slice %arg7[%scan3A_9, %dma_start3A_21] : memref<79x128xi32, #tpu.memory_space<vmem>> -> memref<1x64xi32, #tpu.memory_space<vmem>>
      %dma_start3A_23 = tpu.memref_squeeze %dma_start3A_22 : memref<1x64xi32, #tpu.memory_space<vmem>> -> memref<64xi32, #tpu.memory_space<vmem>>
      %dma_start3A_24 = arith.constant 0 : i32
      %dma_start3A_25 = arith.constant 0 : i32
      %dma_start3A_26 = tpu.memref_slice %arg2[%dma_start3A_24, %dma_start3A_25] : memref<10240x128xf32, #tpu.memory_space<hbm>> -> memref<10240x128xf32, #tpu.memory_space<hbm>>
      tpu.enqueue_indirect_dma source(%dma_start3A_26 : memref<10240x128xf32, #tpu.memory_space<hbm>>) target(%dma_start3A_20 : memref<64x128xf32, #tpu.memory_space<vmem>>) offsets(%dma_start3A_23 : memref<64xi32, #tpu.memory_space<vmem>>) semaphore(%arg12 : memref<!tpu.dma_semaphore, #tpu.memory_space<semaphore_mem>>)
      %dma_wait3A = arith.constant 0 : i32
      %dma_wait3A_27 = arith.constant 0 : i32
      %dma_wait3A_28 = tpu.memref_slice %arg9[%dma_wait3A, %dma_wait3A_27] : memref<128x128xf32, #tpu.memory_space<vmem>> -> memref<64x128xf32, #tpu.memory_space<vmem>>
      %dma_wait3A_29 = arith.constant 0 : i32
      %dma_wait3A_30 = tpu.memref_slice %arg7[%scan3A_9, %dma_wait3A_29] : memref<79x128xi32, #tpu.memory_space<vmem>> -> memref<1x64xi32, #tpu.memory_space<vmem>>
      %dma_wait3A_31 = tpu.memref_squeeze %dma_wait3A_30 : memref<1x64xi32, #tpu.memory_space<vmem>> -> memref<64xi32, #tpu.memory_space<vmem>>
      %dma_wait3A_32 = arith.constant 0 : i32
      %dma_wait3A_33 = arith.constant 0 : i32
      %dma_wait3A_34 = tpu.memref_slice %arg2[%dma_wait3A_32, %dma_wait3A_33] : memref<10240x128xf32, #tpu.memory_space<hbm>> -> memref<10240x128xf32, #tpu.memory_space<hbm>>
      tpu.wait_indirect_dma semaphore(%arg11 : memref<!tpu.dma_semaphore, #tpu.memory_space<semaphore_mem>>) src(%dma_wait3A_34 : memref<10240x128xf32, #tpu.memory_space<hbm>>) dst(%dma_wait3A_28 : memref<64x128xf32, #tpu.memory_space<vmem>>)
      %dma_wait3A_35 = arith.constant 64 : i32
      %dma_wait3A_36 = arith.constant 0 : i32
      %dma_wait3A_37 = tpu.memref_slice %arg9[%dma_wait3A_35, %dma_wait3A_36] : memref<128x128xf32, #tpu.memory_space<vmem>> -> memref<64x128xf32, #tpu.memory_space<vmem>>
      %dma_wait3A_38 = arith.constant 64 : i32
      %dma_wait3A_39 = tpu.memref_slice %arg7[%scan3A_9, %dma_wait3A_38] : memref<79x128xi32, #tpu.memory_space<vmem>> -> memref<1x64xi32, #tpu.memory_space<vmem>>
      %dma_wait3A_40 = tpu.memref_squeeze %dma_wait3A_39 : memref<1x64xi32, #tpu.memory_space<vmem>> -> memref<64xi32, #tpu.memory_space<vmem>>
      %dma_wait3A_41 = arith.constant 0 : i32
      %dma_wait3A_42 = arith.constant 0 : i32
      %dma_wait3A_43 = tpu.memref_slice %arg2[%dma_wait3A_41, %dma_wait3A_42] : memref<10240x128xf32, #tpu.memory_space<hbm>> -> memref<10240x128xf32, #tpu.memory_space<hbm>>
      tpu.wait_indirect_dma semaphore(%arg12 : memref<!tpu.dma_semaphore, #tpu.memory_space<semaphore_mem>>) src(%dma_wait3A_43 : memref<10240x128xf32, #tpu.memory_space<hbm>>) dst(%dma_wait3A_37 : memref<64x128xf32, #tpu.memory_space<vmem>>)
      "tpu.region"() ({
        %run_scoped3A = tpu.sem_alloc : memref<!tpu.dma_semaphore, #tpu.memory_space<semaphore_mem>>
        %dma_start3A_44 = arith.constant 0 : i32
        %dma_start3A_45 = tpu.memref_slice %arg8[%scan3A_9, %dma_start3A_44] : memref<79x128xi32, #tpu.memory_space<vmem>> -> memref<1x128xi32, #tpu.memory_space<vmem>>
        %dma_start3A_46 = tpu.memref_squeeze %dma_start3A_45 : memref<1x128xi32, #tpu.memory_space<vmem>> -> memref<128xi32, #tpu.memory_space<vmem>>
        %dma_start3A_47 = arith.constant 0 : i32
        %dma_start3A_48 = arith.constant 0 : i32
        %dma_start3A_49 = tpu.memref_slice %arg10[%dma_start3A_47, %dma_start3A_48] : memref<10240x128xf32, #tpu.memory_space<vmem_shared>> -> memref<10240x128xf32, #tpu.memory_space<vmem_shared>>
        tpu.enqueue_indirect_dma source(%arg9 : memref<128x128xf32, #tpu.memory_space<vmem>>) target(%dma_start3A_49 : memref<10240x128xf32, #tpu.memory_space<vmem_shared>>) offsets(%dma_start3A_46 : memref<128xi32, #tpu.memory_space<vmem>>) semaphore(%run_scoped3A : memref<!tpu.dma_semaphore, #tpu.memory_space<semaphore_mem>>) {add = true}
        %dma_wait3A_50 = arith.constant 0 : i32
        %dma_wait3A_51 = tpu.memref_slice %arg8[%scan3A_9, %dma_wait3A_50] : memref<79x128xi32, #tpu.memory_space<vmem>> -> memref<1x128xi32, #tpu.memory_space<vmem>>
        %dma_wait3A_52 = tpu.memref_squeeze %dma_wait3A_51 : memref<1x128xi32, #tpu.memory_space<vmem>> -> memref<128xi32, #tpu.memory_space<vmem>>
        %dma_wait3A_53 = arith.constant 0 : i32
        %dma_wait3A_54 = arith.constant 0 : i32
        %dma_wait3A_55 = tpu.memref_slice %arg10[%dma_wait3A_53, %dma_wait3A_54] : memref<10240x128xf32, #tpu.memory_space<vmem_shared>> -> memref<10240x128xf32, #tpu.memory_space<vmem_shared>>
        tpu.wait_indirect_dma semaphore(%run_scoped3A : memref<!tpu.dma_semaphore, #tpu.memory_space<semaphore_mem>>) src(%arg9 : memref<128x128xf32, #tpu.memory_space<vmem>>) dst(%dma_wait3A_55 : memref<10240x128xf32, #tpu.memory_space<vmem_shared>>)
        tpu.yield
      }) : () -> ()
    }
    %scan3A_7 = arith.constant 79 : i32
    %barrier3A_8 = arith.constant 0 : index
    tpu.barrier barrier_id(%barrier3A_8)
    "tpu.region"() ({
      %run_scoped3A = tpu.sem_alloc : memref<!tpu.dma_semaphore, #tpu.memory_space<semaphore_mem>>
      %dma_start3A = arith.constant 0 : i32
      %dma_start3A_9 = tpu.memref_slice %arg6[%arg0, %mul3A_2, %dma_start3A] : memref<2x10240x128xf32, #tpu.memory_space<hbm>> -> memref<1x640x128xf32, #tpu.memory_space<hbm>>
      %dma_start3A_10 = tpu.memref_squeeze %dma_start3A_9 : memref<1x640x128xf32, #tpu.memory_space<hbm>> -> memref<640x128xf32, #tpu.memory_space<hbm>>
      %dma_start3A_11 = arith.constant 0 : i32
      %dma_start3A_12 = tpu.memref_slice %arg10[%mul3A_2, %dma_start3A_11] : memref<10240x128xf32, #tpu.memory_space<vmem_shared>> -> memref<640x128xf32, #tpu.memory_space<vmem_shared>>
      tpu.enqueue_dma source(%dma_start3A_12 : memref<640x128xf32, #tpu.memory_space<vmem_shared>>) target(%dma_start3A_10 : memref<640x128xf32, #tpu.memory_space<hbm>>) target_semaphore(%run_scoped3A : memref<!tpu.dma_semaphore, #tpu.memory_space<semaphore_mem>>)
      %dma_wait3A = arith.constant 0 : i32
      %dma_wait3A_13 = tpu.memref_slice %arg6[%arg0, %mul3A_2, %dma_wait3A] : memref<2x10240x128xf32, #tpu.memory_space<hbm>> -> memref<1x640x128xf32, #tpu.memory_space<hbm>>
      %dma_wait3A_14 = tpu.memref_squeeze %dma_wait3A_13 : memref<1x640x128xf32, #tpu.memory_space<hbm>> -> memref<640x128xf32, #tpu.memory_space<hbm>>
      %dma_wait3A_15 = arith.constant 0 : i32
      %dma_wait3A_16 = tpu.memref_slice %arg10[%mul3A_2, %dma_wait3A_15] : memref<10240x128xf32, #tpu.memory_space<vmem_shared>> -> memref<640x128xf32, #tpu.memory_space<vmem_shared>>
      tpu.wait_dma2 semaphore(%run_scoped3A : memref<!tpu.dma_semaphore, #tpu.memory_space<semaphore_mem>>) src(%dma_wait3A_16 : memref<640x128xf32, #tpu.memory_space<vmem_shared>>) dst(%dma_wait3A_14 : memref<640x128xf32, #tpu.memory_space<hbm>>)
      tpu.yield
    }) : () -> ()
    return
  }
}

#map = affine_map<(d0, d1) -> (0, 0, 0)>
#map1 = affine_map<(d0, d1) -> (0, 0)>
module attributes {stable_mosaic.version = 14 : i64} {
  func.func @sc_deg(%arg0: i32, %arg1: i32, %arg2: memref<32x79x128xi32, #tpu.memory_space<hbm>>, %arg3: memref<10240x128xf32, #tpu.memory_space<hbm>>, %arg4: memref<128x128xf32, #tpu.memory_space<hbm>>, %arg5: memref<2x10240x128xf32, #tpu.memory_space<hbm>>, %arg6: memref<79x128xi32, #tpu.memory_space<vmem>>, %arg7: memref<128x128xf32, #tpu.memory_space<vmem>>, %arg8: memref<10240x128xf32, #tpu.memory_space<vmem_shared>>) attributes {dimension_semantics = [#tpu.dimension_semantics<core_parallel>, #tpu.dimension_semantics<subcore_parallel>], iteration_bounds = array<i64: 2, 16>, scalar_prefetch = 0 : i64, scratch_operands = 3 : i64, tpu.core_type = #tpu.core_type<sc_vector_subcore>, window_params = [{transform_indices = #map}, {transform_indices = #map1}, {transform_indices = #map1}, {transform_indices = #map}]} {
    %mul3A = arith.constant 16 : i32
    %mul3A_0 = arith.muli %arg0, %mul3A : i32
    %add3A = arith.addi %mul3A_0, %arg1 : i32
    "tpu.region"() ({
      %run_scoped3A = tpu.sem_alloc : memref<!tpu.dma_semaphore, #tpu.memory_space<semaphore_mem>>
      %dma_start3A = arith.constant 0 : i32
      %dma_start3A_9 = arith.constant 0 : i32
      %dma_start3A_10 = tpu.memref_slice %arg2[%add3A, %dma_start3A, %dma_start3A_9] : memref<32x79x128xi32, #tpu.memory_space<hbm>> -> memref<1x79x128xi32, #tpu.memory_space<hbm>>
      %dma_start3A_11 = tpu.memref_squeeze %dma_start3A_10 : memref<1x79x128xi32, #tpu.memory_space<hbm>> -> memref<79x128xi32, #tpu.memory_space<hbm>>
      %dma_start3A_12 = arith.constant 0 : i32
      %dma_start3A_13 = arith.constant 0 : i32
      %dma_start3A_14 = tpu.memref_slice %arg2[%add3A, %dma_start3A_12, %dma_start3A_13] : memref<32x79x128xi32, #tpu.memory_space<hbm>> -> memref<1x79x128xi32, #tpu.memory_space<hbm>>
      %dma_start3A_15 = tpu.memref_squeeze %dma_start3A_14 : memref<1x79x128xi32, #tpu.memory_space<hbm>> -> memref<79x128xi32, #tpu.memory_space<hbm>>
      tpu.enqueue_dma source(%dma_start3A_15 : memref<79x128xi32, #tpu.memory_space<hbm>>) target(%arg6 : memref<79x128xi32, #tpu.memory_space<vmem>>) target_semaphore(%run_scoped3A : memref<!tpu.dma_semaphore, #tpu.memory_space<semaphore_mem>>)
      %dma_wait3A = arith.constant 0 : i32
      %dma_wait3A_16 = arith.constant 0 : i32
      %dma_wait3A_17 = tpu.memref_slice %arg2[%add3A, %dma_wait3A, %dma_wait3A_16] : memref<32x79x128xi32, #tpu.memory_space<hbm>> -> memref<1x79x128xi32, #tpu.memory_space<hbm>>
      %dma_wait3A_18 = tpu.memref_squeeze %dma_wait3A_17 : memref<1x79x128xi32, #tpu.memory_space<hbm>> -> memref<79x128xi32, #tpu.memory_space<hbm>>
      %dma_wait3A_19 = arith.constant 0 : i32
      %dma_wait3A_20 = arith.constant 0 : i32
      %dma_wait3A_21 = tpu.memref_slice %arg2[%add3A, %dma_wait3A_19, %dma_wait3A_20] : memref<32x79x128xi32, #tpu.memory_space<hbm>> -> memref<1x79x128xi32, #tpu.memory_space<hbm>>
      %dma_wait3A_22 = tpu.memref_squeeze %dma_wait3A_21 : memref<1x79x128xi32, #tpu.memory_space<hbm>> -> memref<79x128xi32, #tpu.memory_space<hbm>>
      tpu.wait_dma2 semaphore(%run_scoped3A : memref<!tpu.dma_semaphore, #tpu.memory_space<semaphore_mem>>) src(%dma_wait3A_22 : memref<79x128xi32, #tpu.memory_space<hbm>>) dst(%arg6 : memref<79x128xi32, #tpu.memory_space<vmem>>)
      tpu.yield
    }) : () -> ()
    "tpu.region"() ({
      %run_scoped3A = tpu.sem_alloc : memref<!tpu.dma_semaphore, #tpu.memory_space<semaphore_mem>>
      tpu.enqueue_dma source(%arg4 : memref<128x128xf32, #tpu.memory_space<hbm>>) target(%arg7 : memref<128x128xf32, #tpu.memory_space<vmem>>) target_semaphore(%run_scoped3A : memref<!tpu.dma_semaphore, #tpu.memory_space<semaphore_mem>>)
      tpu.wait_dma2 semaphore(%run_scoped3A : memref<!tpu.dma_semaphore, #tpu.memory_space<semaphore_mem>>) src(%arg4 : memref<128x128xf32, #tpu.memory_space<hbm>>) dst(%arg7 : memref<128x128xf32, #tpu.memory_space<vmem>>)
      tpu.yield
    }) : () -> ()
    %mul3A_1 = arith.constant 640 : i32
    %mul3A_2 = arith.muli %arg1, %mul3A_1 : i32
    "tpu.region"() ({
      %run_scoped3A = tpu.sem_alloc : memref<!tpu.dma_semaphore, #tpu.memory_space<semaphore_mem>>
      %dma_start3A = arith.constant 0 : i32
      %dma_start3A_9 = tpu.memref_slice %arg8[%mul3A_2, %dma_start3A] : memref<10240x128xf32, #tpu.memory_space<vmem_shared>> -> memref<640x128xf32, #tpu.memory_space<vmem_shared>>
      %dma_start3A_10 = arith.constant 0 : i32
      %dma_start3A_11 = tpu.memref_slice %arg3[%mul3A_2, %dma_start3A_10] : memref<10240x128xf32, #tpu.memory_space<hbm>> -> memref<640x128xf32, #tpu.memory_space<hbm>>
      tpu.enqueue_dma source(%dma_start3A_11 : memref<640x128xf32, #tpu.memory_space<hbm>>) target(%dma_start3A_9 : memref<640x128xf32, #tpu.memory_space<vmem_shared>>) target_semaphore(%run_scoped3A : memref<!tpu.dma_semaphore, #tpu.memory_space<semaphore_mem>>)
      %dma_wait3A = arith.constant 0 : i32
      %dma_wait3A_12 = tpu.memref_slice %arg8[%mul3A_2, %dma_wait3A] : memref<10240x128xf32, #tpu.memory_space<vmem_shared>> -> memref<640x128xf32, #tpu.memory_space<vmem_shared>>
      %dma_wait3A_13 = arith.constant 0 : i32
      %dma_wait3A_14 = tpu.memref_slice %arg3[%mul3A_2, %dma_wait3A_13] : memref<10240x128xf32, #tpu.memory_space<hbm>> -> memref<640x128xf32, #tpu.memory_space<hbm>>
      tpu.wait_dma2 semaphore(%run_scoped3A : memref<!tpu.dma_semaphore, #tpu.memory_space<semaphore_mem>>) src(%dma_wait3A_14 : memref<640x128xf32, #tpu.memory_space<hbm>>) dst(%dma_wait3A_12 : memref<640x128xf32, #tpu.memory_space<vmem_shared>>)
      tpu.yield
    }) : () -> ()
    %barrier3A = arith.constant 0 : index
    tpu.barrier barrier_id(%barrier3A)
    %scan3A = arith.constant 0 : i32
    %scan3A_3 = arith.constant 0 : i32
    %scan3A_4 = arith.constant 79 : i32
    %scan3A_5 = arith.addi %scan3A_3, %scan3A_4 : i32
    %scan3A_6 = arith.constant 1 : i32
    scf.for %scan3A_9 = %scan3A_3 to %scan3A_5 step %scan3A_6  : i32 {
      "tpu.region"() ({
        %run_scoped3A = tpu.sem_alloc : memref<!tpu.dma_semaphore, #tpu.memory_space<semaphore_mem>>
        %dma_start3A = arith.constant 0 : i32
        %dma_start3A_10 = tpu.memref_slice %arg6[%scan3A_9, %dma_start3A] : memref<79x128xi32, #tpu.memory_space<vmem>> -> memref<1x128xi32, #tpu.memory_space<vmem>>
        %dma_start3A_11 = tpu.memref_squeeze %dma_start3A_10 : memref<1x128xi32, #tpu.memory_space<vmem>> -> memref<128xi32, #tpu.memory_space<vmem>>
        %dma_start3A_12 = arith.constant 0 : i32
        %dma_start3A_13 = arith.constant 0 : i32
        %dma_start3A_14 = tpu.memref_slice %arg8[%dma_start3A_12, %dma_start3A_13] : memref<10240x128xf32, #tpu.memory_space<vmem_shared>> -> memref<10240x128xf32, #tpu.memory_space<vmem_shared>>
        tpu.enqueue_indirect_dma source(%arg7 : memref<128x128xf32, #tpu.memory_space<vmem>>) target(%dma_start3A_14 : memref<10240x128xf32, #tpu.memory_space<vmem_shared>>) offsets(%dma_start3A_11 : memref<128xi32, #tpu.memory_space<vmem>>) semaphore(%run_scoped3A : memref<!tpu.dma_semaphore, #tpu.memory_space<semaphore_mem>>) {add = true}
        %dma_wait3A = arith.constant 0 : i32
        %dma_wait3A_15 = tpu.memref_slice %arg6[%scan3A_9, %dma_wait3A] : memref<79x128xi32, #tpu.memory_space<vmem>> -> memref<1x128xi32, #tpu.memory_space<vmem>>
        %dma_wait3A_16 = tpu.memref_squeeze %dma_wait3A_15 : memref<1x128xi32, #tpu.memory_space<vmem>> -> memref<128xi32, #tpu.memory_space<vmem>>
        %dma_wait3A_17 = arith.constant 0 : i32
        %dma_wait3A_18 = arith.constant 0 : i32
        %dma_wait3A_19 = tpu.memref_slice %arg8[%dma_wait3A_17, %dma_wait3A_18] : memref<10240x128xf32, #tpu.memory_space<vmem_shared>> -> memref<10240x128xf32, #tpu.memory_space<vmem_shared>>
        tpu.wait_indirect_dma semaphore(%run_scoped3A : memref<!tpu.dma_semaphore, #tpu.memory_space<semaphore_mem>>) src(%arg7 : memref<128x128xf32, #tpu.memory_space<vmem>>) dst(%dma_wait3A_19 : memref<10240x128xf32, #tpu.memory_space<vmem_shared>>)
        tpu.yield
      }) : () -> ()
    }
    %scan3A_7 = arith.constant 79 : i32
    %barrier3A_8 = arith.constant 0 : index
    tpu.barrier barrier_id(%barrier3A_8)
    "tpu.region"() ({
      %run_scoped3A = tpu.sem_alloc : memref<!tpu.dma_semaphore, #tpu.memory_space<semaphore_mem>>
      %dma_start3A = arith.constant 0 : i32
      %dma_start3A_9 = tpu.memref_slice %arg5[%arg0, %mul3A_2, %dma_start3A] : memref<2x10240x128xf32, #tpu.memory_space<hbm>> -> memref<1x640x128xf32, #tpu.memory_space<hbm>>
      %dma_start3A_10 = tpu.memref_squeeze %dma_start3A_9 : memref<1x640x128xf32, #tpu.memory_space<hbm>> -> memref<640x128xf32, #tpu.memory_space<hbm>>
      %dma_start3A_11 = arith.constant 0 : i32
      %dma_start3A_12 = tpu.memref_slice %arg8[%mul3A_2, %dma_start3A_11] : memref<10240x128xf32, #tpu.memory_space<vmem_shared>> -> memref<640x128xf32, #tpu.memory_space<vmem_shared>>
      tpu.enqueue_dma source(%dma_start3A_12 : memref<640x128xf32, #tpu.memory_space<vmem_shared>>) target(%dma_start3A_10 : memref<640x128xf32, #tpu.memory_space<hbm>>) target_semaphore(%run_scoped3A : memref<!tpu.dma_semaphore, #tpu.memory_space<semaphore_mem>>)
      %dma_wait3A = arith.constant 0 : i32
      %dma_wait3A_13 = tpu.memref_slice %arg5[%arg0, %mul3A_2, %dma_wait3A] : memref<2x10240x128xf32, #tpu.memory_space<hbm>> -> memref<1x640x128xf32, #tpu.memory_space<hbm>>
      %dma_wait3A_14 = tpu.memref_squeeze %dma_wait3A_13 : memref<1x640x128xf32, #tpu.memory_space<hbm>> -> memref<640x128xf32, #tpu.memory_space<hbm>>
      %dma_wait3A_15 = arith.constant 0 : i32
      %dma_wait3A_16 = tpu.memref_slice %arg8[%mul3A_2, %dma_wait3A_15] : memref<10240x128xf32, #tpu.memory_space<vmem_shared>> -> memref<640x128xf32, #tpu.memory_space<vmem_shared>>
      tpu.wait_dma2 semaphore(%run_scoped3A : memref<!tpu.dma_semaphore, #tpu.memory_space<semaphore_mem>>) src(%dma_wait3A_16 : memref<640x128xf32, #tpu.memory_space<vmem_shared>>) dst(%dma_wait3A_14 : memref<640x128xf32, #tpu.memory_space<hbm>>)
      tpu.yield
    }) : () -> ()
    return
  }
}

module attributes {stable_mosaic.version = 14 : i64} {
  func.func @_tc_in_body(%arg0: i32, %arg1: memref<1024x128xf32, #tpu.memory_space<vmem>>, %arg2: memref<128x128xf32, #tpu.memory_space<vmem>>, %arg3: memref<1x128xf32, #tpu.memory_space<vmem>>, %arg4: memref<1024x128xf32, #tpu.memory_space<vmem>>) attributes {dimension_semantics = [#tpu.dimension_semantics<arbitrary>], iteration_bounds = array<i64: 10>, scalar_prefetch = 0 : i64, scratch_operands = 0 : i64, tpu.core_type = #tpu.core_type<tc>, window_params = [{transform_indices = @transform_0, window_bounds = array<i64: 1024, 128>}, {pipeline_mode = #tpu.pipeline_mode<synchronous>, transform_indices = @transform_1, window_bounds = array<i64: 128, 128>}, {pipeline_mode = #tpu.pipeline_mode<synchronous>, transform_indices = @transform_2, window_bounds = array<i64: 1, 128>}, {transform_indices = @transform_3, window_bounds = array<i64: 1024, 128>}]} {
    %get3A = arith.constant 0 : index
    %get3A_0 = arith.constant 0 : index
    %get3A_1 = vector.load %arg1[%get3A, %get3A_0] : memref<1024x128xf32, #tpu.memory_space<vmem>>, vector<1024x128xf32>
    %get3A_2 = arith.constant 0 : index
    %get3A_3 = arith.constant 0 : index
    %get3A_4 = vector.load %arg2[%get3A_2, %get3A_3] : memref<128x128xf32, #tpu.memory_space<vmem>>, vector<128x128xf32>
    %dot_general3A = arith.constant dense<0.000000e+00> : vector<1024x128xf32>
    %dot_general3A_5 = tpu.matmul %get3A_1, %get3A_4, %dot_general3A {dimension_numbers = #tpu.dot_dimension_numbers<[1], [0], [0], [1], [0, 0, 1, 1], [], []>, transpose_lhs_hint = false} : vector<1024x128xf32>, vector<128x128xf32>, vector<1024x128xf32> -> vector<1024x128xf32>
    %get3A_6 = arith.constant 0 : index
    %get3A_7 = arith.constant 0 : index
    %get3A_8 = vector.load %arg3[%get3A_6, %get3A_7] : memref<1x128xf32, #tpu.memory_space<vmem>>, vector<1x128xf32>
    %add3A = vector.broadcast %get3A_8 : vector<1x128xf32> to vector<1024x128xf32>
    %add3A_9 = arith.addf %dot_general3A_5, %add3A : vector<1024x128xf32>
    %max3A = arith.constant 0.000000e+00 : f32
    %max3A_10 = vector.broadcast %max3A : f32 to vector<1024x128xf32>
    %max3A_11 = arith.maximumf %add3A_9, %max3A_10 : vector<1024x128xf32>
    %swap3A = arith.constant 0 : index
    %swap3A_12 = arith.constant 0 : index
    %swap3A_13 = vector.load %arg4[%swap3A, %swap3A_12] : memref<1024x128xf32, #tpu.memory_space<vmem>>, vector<1024x128xf32>
    tpu.vector_store %arg4[%swap3A, %swap3A_12], %max3A_11 {strides = array<i32>} : memref<1024x128xf32, #tpu.memory_space<vmem>>, vector<1024x128xf32>,
    return
  }
  func.func @transform_0(%arg0: i32) -> (i32, i32) {
    %c0_i32 = arith.constant 0 : i32
    %c0_i32_0 = arith.constant 0 : i32
    return %arg0, %c0_i32 : i32, i32
  }
  func.func @transform_1(%arg0: i32) -> (i32, i32) {
    %c0_i32 = arith.constant 0 : i32
    %c0_i32_0 = arith.constant 0 : i32
    %c0_i32_1 = arith.constant 0 : i32
    return %c0_i32, %c0_i32_0 : i32, i32
  }
  func.func @transform_2(%arg0: i32) -> (i32, i32) {
    %c0_i32 = arith.constant 0 : i32
    %c0_i32_0 = arith.constant 0 : i32
    %c0_i32_1 = arith.constant 0 : i32
    return %c0_i32, %c0_i32_0 : i32, i32
  }
  func.func @transform_3(%arg0: i32) -> (i32, i32) {
    %c0_i32 = arith.constant 0 : i32
    %c0_i32_0 = arith.constant 0 : i32
    return %arg0, %c0_i32 : i32, i32
  }
}

module attributes {stable_mosaic.version = 14 : i64} {
  func.func @_tc_sage_body(%arg0: i32, %arg1: memref<1024x128xf32, #tpu.memory_space<vmem>>, %arg2: memref<1024x128xf32, #tpu.memory_space<vmem>>, %arg3: memref<1024x128xf32, #tpu.memory_space<vmem>>, %arg4: memref<1024x128xf32, #tpu.memory_space<vmem>>, %arg5: memref<1024x128xf32, #tpu.memory_space<vmem>>, %arg6: memref<128x128xf32, #tpu.memory_space<vmem>>, %arg7: memref<1x128xf32, #tpu.memory_space<vmem>>, %arg8: memref<128x128xf32, #tpu.memory_space<vmem>>, %arg9: memref<1024x128xf32, #tpu.memory_space<vmem>>) attributes {dimension_semantics = [#tpu.dimension_semantics<arbitrary>], iteration_bounds = array<i64: 10>, scalar_prefetch = 0 : i64, scratch_operands = 0 : i64, tpu.core_type = #tpu.core_type<tc>, window_params = [{transform_indices = @transform_0, window_bounds = array<i64: 1024, 128>}, {transform_indices = @transform_1, window_bounds = array<i64: 1024, 128>}, {transform_indices = @transform_2, window_bounds = array<i64: 1024, 128>}, {transform_indices = @transform_3, window_bounds = array<i64: 1024, 128>}, {transform_indices = @transform_4, window_bounds = array<i64: 1024, 128>}, {pipeline_mode = #tpu.pipeline_mode<synchronous>, transform_indices = @transform_5, window_bounds = array<i64: 128, 128>}, {pipeline_mode = #tpu.pipeline_mode<synchronous>, transform_indices = @transform_6, window_bounds = array<i64: 1, 128>}, {pipeline_mode = #tpu.pipeline_mode<synchronous>, transform_indices = @transform_7, window_bounds = array<i64: 128, 128>}, {transform_indices = @transform_8, window_bounds = array<i64: 1024, 128>}]} {
    %get3A = arith.constant 0 : index
    %get3A_0 = arith.constant 0 : index
    %get3A_1 = vector.load %arg3[%get3A, %get3A_0] : memref<1024x128xf32, #tpu.memory_space<vmem>>, vector<1024x128xf32>
    %slice3A = vector.extract_strided_slice %get3A_1 {offsets = [0, 0], sizes = [1024, 1], strides = [1, 1]} : vector<1024x128xf32> to vector<1024x1xf32>
    %get3A_2 = arith.constant 0 : index
    %get3A_3 = arith.constant 0 : index
    %get3A_4 = vector.load %arg4[%get3A_2, %get3A_3] : memref<1024x128xf32, #tpu.memory_space<vmem>>, vector<1024x128xf32>
    %slice3A_5 = vector.extract_strided_slice %get3A_4 {offsets = [0, 0], sizes = [1024, 1], strides = [1, 1]} : vector<1024x128xf32> to vector<1024x1xf32>
    %add3A = arith.addf %slice3A, %slice3A_5 : vector<1024x1xf32>
    %get3A_6 = arith.constant 0 : index
    %get3A_7 = arith.constant 0 : index
    %get3A_8 = vector.load %arg1[%get3A_6, %get3A_7] : memref<1024x128xf32, #tpu.memory_space<vmem>>, vector<1024x128xf32>
    %get3A_9 = arith.constant 0 : index
    %get3A_10 = arith.constant 0 : index
    %get3A_11 = vector.load %arg2[%get3A_9, %get3A_10] : memref<1024x128xf32, #tpu.memory_space<vmem>>, vector<1024x128xf32>
    %add3A_12 = arith.addf %get3A_8, %get3A_11 : vector<1024x128xf32>
    %max3A = arith.constant 1.000000e+00 : f32
    %max3A_13 = vector.broadcast %max3A : f32 to vector<1024x1xf32>
    %max3A_14 = arith.maximumf %add3A, %max3A_13 : vector<1024x1xf32>
    %div3A = vector.broadcast %max3A_14 : vector<1024x1xf32> to vector<1024x128xf32>
    %div3A_15 = arith.divf %add3A_12, %div3A : vector<1024x128xf32>
    %get3A_16 = arith.constant 0 : index
    %get3A_17 = arith.constant 0 : index
    %get3A_18 = vector.load %arg6[%get3A_16, %get3A_17] : memref<128x128xf32, #tpu.memory_space<vmem>>, vector<128x128xf32>
    %dot_general3A = arith.constant dense<0.000000e+00> : vector<1024x128xf32>
    %dot_general3A_19 = tpu.matmul %div3A_15, %get3A_18, %dot_general3A {dimension_numbers = #tpu.dot_dimension_numbers<[1], [0], [0], [1], [0, 0, 1, 1], [], []>, transpose_lhs_hint = false} : vector<1024x128xf32>, vector<128x128xf32>, vector<1024x128xf32> -> vector<1024x128xf32>
    %get3A_20 = arith.constant 0 : index
    %get3A_21 = arith.constant 0 : index
    %get3A_22 = vector.load %arg7[%get3A_20, %get3A_21] : memref<1x128xf32, #tpu.memory_space<vmem>>, vector<1x128xf32>
    %add3A_23 = vector.broadcast %get3A_22 : vector<1x128xf32> to vector<1024x128xf32>
    %add3A_24 = arith.addf %dot_general3A_19, %add3A_23 : vector<1024x128xf32>
    %get3A_25 = arith.constant 0 : index
    %get3A_26 = arith.constant 0 : index
    %get3A_27 = vector.load %arg5[%get3A_25, %get3A_26] : memref<1024x128xf32, #tpu.memory_space<vmem>>, vector<1024x128xf32>
    %get3A_28 = arith.constant 0 : index
    %get3A_29 = arith.constant 0 : index
    %get3A_30 = vector.load %arg8[%get3A_28, %get3A_29] : memref<128x128xf32, #tpu.memory_space<vmem>>, vector<128x128xf32>
    %dot_general3A_31 = arith.constant dense<0.000000e+00> : vector<1024x128xf32>
    %dot_general3A_32 = tpu.matmul %get3A_27, %get3A_30, %dot_general3A_31 {dimension_numbers = #tpu.dot_dimension_numbers<[1], [0], [0], [1], [0, 0, 1, 1], [], []>, transpose_lhs_hint = false} : vector<1024x128xf32>, vector<128x128xf32>, vector<1024x128xf32> -> vector<1024x128xf32>
    %add3A_33 = arith.addf %add3A_24, %dot_general3A_32 : vector<1024x128xf32>
    %swap3A = arith.constant 0 : index
    %swap3A_34 = arith.constant 0 : index
    %swap3A_35 = vector.load %arg9[%swap3A, %swap3A_34] : memref<1024x128xf32, #tpu.memory_space<vmem>>, vector<1024x128xf32>
    tpu.vector_store %arg9[%swap3A, %swap3A_34], %add3A_33 {strides = array<i32>} : memref<1024x128xf32, #tpu.memory_space<vmem>>, vector<1024x128xf32>,
    return
  }
  func.func @transform_0(%arg0: i32) -> (i32, i32) {
    %c0_i32 = arith.constant 0 : i32
    %c0_i32_0 = arith.constant 0 : i32
    return %arg0, %c0_i32 : i32, i32
  }
  func.func @transform_1(%arg0: i32) -> (i32, i32) {
    %c0_i32 = arith.constant 0 : i32
    %c0_i32_0 = arith.constant 0 : i32
    return %arg0, %c0_i32 : i32, i32
  }
  func.func @transform_2(%arg0: i32) -> (i32, i32) {
    %c0_i32 = arith.constant 0 : i32
    %c0_i32_0 = arith.constant 0 : i32
    return %arg0, %c0_i32 : i32, i32
  }
  func.func @transform_3(%arg0: i32) -> (i32, i32) {
    %c0_i32 = arith.constant 0 : i32
    %c0_i32_0 = arith.constant 0 : i32
    return %arg0, %c0_i32 : i32, i32
  }
  func.func @transform_4(%arg0: i32) -> (i32, i32) {
    %c0_i32 = arith.constant 0 : i32
    %c0_i32_0 = arith.constant 0 : i32
    return %arg0, %c0_i32 : i32, i32
  }
  func.func @transform_5(%arg0: i32) -> (i32, i32) {
    %c0_i32 = arith.constant 0 : i32
    %c0_i32_0 = arith.constant 0 : i32
    %c0_i32_1 = arith.constant 0 : i32
    return %c0_i32, %c0_i32_0 : i32, i32
  }
  func.func @transform_6(%arg0: i32) -> (i32, i32) {
    %c0_i32 = arith.constant 0 : i32
    %c0_i32_0 = arith.constant 0 : i32
    %c0_i32_1 = arith.constant 0 : i32
    return %c0_i32, %c0_i32_0 : i32, i32
  }
  func.func @transform_7(%arg0: i32) -> (i32, i32) {
    %c0_i32 = arith.constant 0 : i32
    %c0_i32_0 = arith.constant 0 : i32
    %c0_i32_1 = arith.constant 0 : i32
    return %c0_i32, %c0_i32_0 : i32, i32
  }
  func.func @transform_8(%arg0: i32) -> (i32, i32) {
    %c0_i32 = arith.constant 0 : i32
    %c0_i32_0 = arith.constant 0 : i32
    return %arg0, %c0_i32 : i32, i32
  }
}

module attributes {stable_mosaic.version = 14 : i64} {
  func.func @_tc_sage_body(%arg0: i32, %arg1: memref<1024x128xf32, #tpu.memory_space<vmem>>, %arg2: memref<1024x128xf32, #tpu.memory_space<vmem>>, %arg3: memref<1024x128xf32, #tpu.memory_space<vmem>>, %arg4: memref<1024x128xf32, #tpu.memory_space<vmem>>, %arg5: memref<1024x128xf32, #tpu.memory_space<vmem>>, %arg6: memref<128x128xf32, #tpu.memory_space<vmem>>, %arg7: memref<1x128xf32, #tpu.memory_space<vmem>>, %arg8: memref<128x128xf32, #tpu.memory_space<vmem>>, %arg9: memref<128x40xf32, #tpu.memory_space<vmem>>, %arg10: memref<1024x40xf32, #tpu.memory_space<vmem>>) attributes {dimension_semantics = [#tpu.dimension_semantics<arbitrary>], iteration_bounds = array<i64: 10>, scalar_prefetch = 0 : i64, scratch_operands = 0 : i64, tpu.core_type = #tpu.core_type<tc>, window_params = [{transform_indices = @transform_0, window_bounds = array<i64: 1024, 128>}, {transform_indices = @transform_1, window_bounds = array<i64: 1024, 128>}, {transform_indices = @transform_2, window_bounds = array<i64: 1024, 128>}, {transform_indices = @transform_3, window_bounds = array<i64: 1024, 128>}, {transform_indices = @transform_4, window_bounds = array<i64: 1024, 128>}, {pipeline_mode = #tpu.pipeline_mode<synchronous>, transform_indices = @transform_5, window_bounds = array<i64: 128, 128>}, {pipeline_mode = #tpu.pipeline_mode<synchronous>, transform_indices = @transform_6, window_bounds = array<i64: 1, 128>}, {pipeline_mode = #tpu.pipeline_mode<synchronous>, transform_indices = @transform_7, window_bounds = array<i64: 128, 128>}, {pipeline_mode = #tpu.pipeline_mode<synchronous>, transform_indices = @transform_8, window_bounds = array<i64: 128, 40>}, {transform_indices = @transform_9, window_bounds = array<i64: 1024, 40>}]} {
    %get3A = arith.constant 0 : index
    %get3A_0 = arith.constant 0 : index
    %get3A_1 = vector.load %arg3[%get3A, %get3A_0] : memref<1024x128xf32, #tpu.memory_space<vmem>>, vector<1024x128xf32>
    %slice3A = vector.extract_strided_slice %get3A_1 {offsets = [0, 0], sizes = [1024, 1], strides = [1, 1]} : vector<1024x128xf32> to vector<1024x1xf32>
    %get3A_2 = arith.constant 0 : index
    %get3A_3 = arith.constant 0 : index
    %get3A_4 = vector.load %arg4[%get3A_2, %get3A_3] : memref<1024x128xf32, #tpu.memory_space<vmem>>, vector<1024x128xf32>
    %slice3A_5 = vector.extract_strided_slice %get3A_4 {offsets = [0, 0], sizes = [1024, 1], strides = [1, 1]} : vector<1024x128xf32> to vector<1024x1xf32>
    %add3A = arith.addf %slice3A, %slice3A_5 : vector<1024x1xf32>
    %get3A_6 = arith.constant 0 : index
    %get3A_7 = arith.constant 0 : index
    %get3A_8 = vector.load %arg1[%get3A_6, %get3A_7] : memref<1024x128xf32, #tpu.memory_space<vmem>>, vector<1024x128xf32>
    %get3A_9 = arith.constant 0 : index
    %get3A_10 = arith.constant 0 : index
    %get3A_11 = vector.load %arg2[%get3A_9, %get3A_10] : memref<1024x128xf32, #tpu.memory_space<vmem>>, vector<1024x128xf32>
    %add3A_12 = arith.addf %get3A_8, %get3A_11 : vector<1024x128xf32>
    %max3A = arith.constant 1.000000e+00 : f32
    %max3A_13 = vector.broadcast %max3A : f32 to vector<1024x1xf32>
    %max3A_14 = arith.maximumf %add3A, %max3A_13 : vector<1024x1xf32>
    %div3A = vector.broadcast %max3A_14 : vector<1024x1xf32> to vector<1024x128xf32>
    %div3A_15 = arith.divf %add3A_12, %div3A : vector<1024x128xf32>
    %get3A_16 = arith.constant 0 : index
    %get3A_17 = arith.constant 0 : index
    %get3A_18 = vector.load %arg6[%get3A_16, %get3A_17] : memref<128x128xf32, #tpu.memory_space<vmem>>, vector<128x128xf32>
    %dot_general3A = arith.constant dense<0.000000e+00> : vector<1024x128xf32>
    %dot_general3A_19 = tpu.matmul %div3A_15, %get3A_18, %dot_general3A {dimension_numbers = #tpu.dot_dimension_numbers<[1], [0], [0], [1], [0, 0, 1, 1], [], []>, transpose_lhs_hint = false} : vector<1024x128xf32>, vector<128x128xf32>, vector<1024x128xf32> -> vector<1024x128xf32>
    %get3A_20 = arith.constant 0 : index
    %get3A_21 = arith.constant 0 : index
    %get3A_22 = vector.load %arg7[%get3A_20, %get3A_21] : memref<1x128xf32, #tpu.memory_space<vmem>>, vector<1x128xf32>
    %add3A_23 = vector.broadcast %get3A_22 : vector<1x128xf32> to vector<1024x128xf32>
    %add3A_24 = arith.addf %dot_general3A_19, %add3A_23 : vector<1024x128xf32>
    %get3A_25 = arith.constant 0 : index
    %get3A_26 = arith.constant 0 : index
    %get3A_27 = vector.load %arg5[%get3A_25, %get3A_26] : memref<1024x128xf32, #tpu.memory_space<vmem>>, vector<1024x128xf32>
    %get3A_28 = arith.constant 0 : index
    %get3A_29 = arith.constant 0 : index
    %get3A_30 = vector.load %arg8[%get3A_28, %get3A_29] : memref<128x128xf32, #tpu.memory_space<vmem>>, vector<128x128xf32>
    %dot_general3A_31 = arith.constant dense<0.000000e+00> : vector<1024x128xf32>
    %dot_general3A_32 = tpu.matmul %get3A_27, %get3A_30, %dot_general3A_31 {dimension_numbers = #tpu.dot_dimension_numbers<[1], [0], [0], [1], [0, 0, 1, 1], [], []>, transpose_lhs_hint = false} : vector<1024x128xf32>, vector<128x128xf32>, vector<1024x128xf32> -> vector<1024x128xf32>
    %add3A_33 = arith.addf %add3A_24, %dot_general3A_32 : vector<1024x128xf32>
    %max3A_34 = arith.constant 0.000000e+00 : f32
    %max3A_35 = vector.broadcast %max3A_34 : f32 to vector<1024x128xf32>
    %max3A_36 = arith.maximumf %add3A_33, %max3A_35 : vector<1024x128xf32>
    %get3A_37 = arith.constant 0 : index
    %get3A_38 = arith.constant 0 : index
    %get3A_39 = vector.load %arg9[%get3A_37, %get3A_38] : memref<128x40xf32, #tpu.memory_space<vmem>>, vector<128x40xf32>
    %dot_general3A_40 = arith.constant dense<0.000000e+00> : vector<1024x40xf32>
    %dot_general3A_41 = tpu.matmul %max3A_36, %get3A_39, %dot_general3A_40 {dimension_numbers = #tpu.dot_dimension_numbers<[1], [0], [0], [1], [0, 0, 1, 1], [], []>, transpose_lhs_hint = false} : vector<1024x128xf32>, vector<128x40xf32>, vector<1024x40xf32> -> vector<1024x40xf32>
    %swap3A = arith.constant 0 : index
    %swap3A_42 = arith.constant 0 : index
    %swap3A_43 = vector.load %arg10[%swap3A, %swap3A_42] : memref<1024x40xf32, #tpu.memory_space<vmem>>, vector<1024x40xf32>
    tpu.vector_store %arg10[%swap3A, %swap3A_42], %dot_general3A_41 {strides = array<i32>} : memref<1024x40xf32, #tpu.memory_space<vmem>>, vector<1024x40xf32>,
    return
  }
  func.func @transform_0(%arg0: i32) -> (i32, i32) {
    %c0_i32 = arith.constant 0 : i32
    %c0_i32_0 = arith.constant 0 : i32
    return %arg0, %c0_i32 : i32, i32
  }
  func.func @transform_1(%arg0: i32) -> (i32, i32) {
    %c0_i32 = arith.constant 0 : i32
    %c0_i32_0 = arith.constant 0 : i32
    return %arg0, %c0_i32 : i32, i32
  }
  func.func @transform_2(%arg0: i32) -> (i32, i32) {
    %c0_i32 = arith.constant 0 : i32
    %c0_i32_0 = arith.constant 0 : i32
    return %arg0, %c0_i32 : i32, i32
  }
  func.func @transform_3(%arg0: i32) -> (i32, i32) {
    %c0_i32 = arith.constant 0 : i32
    %c0_i32_0 = arith.constant 0 : i32
    return %arg0, %c0_i32 : i32, i32
  }
  func.func @transform_4(%arg0: i32) -> (i32, i32) {
    %c0_i32 = arith.constant 0 : i32
    %c0_i32_0 = arith.constant 0 : i32
    return %arg0, %c0_i32 : i32, i32
  }
  func.func @transform_5(%arg0: i32) -> (i32, i32) {
    %c0_i32 = arith.constant 0 : i32
    %c0_i32_0 = arith.constant 0 : i32
    %c0_i32_1 = arith.constant 0 : i32
    return %c0_i32, %c0_i32_0 : i32, i32
  }
  func.func @transform_6(%arg0: i32) -> (i32, i32) {
    %c0_i32 = arith.constant 0 : i32
    %c0_i32_0 = arith.constant 0 : i32
    %c0_i32_1 = arith.constant 0 : i32
    return %c0_i32, %c0_i32_0 : i32, i32
  }
  func.func @transform_7(%arg0: i32) -> (i32, i32) {
    %c0_i32 = arith.constant 0 : i32
    %c0_i32_0 = arith.constant 0 : i32
    %c0_i32_1 = arith.constant 0 : i32
    return %c0_i32, %c0_i32_0 : i32, i32
  }
  func.func @transform_8(%arg0: i32) -> (i32, i32) {
    %c0_i32 = arith.constant 0 : i32
    %c0_i32_0 = arith.constant 0 : i32
    %c0_i32_1 = arith.constant 0 : i32
    return %c0_i32, %c0_i32_0 : i32, i32
  }
  func.func @transform_9(%arg0: i32) -> (i32, i32) {
    %c0_i32 = arith.constant 0 : i32
    %c0_i32_0 = arith.constant 0 : i32
    return %arg0, %c0_i32 : i32, i32
  }
}

</mosaic_0001>

<sc_bundles>
// kernel: sc_agg.4.cloned.1.call-start
scs
__scs_entry_jumppad:
0x0: {  	(pc) =	sbr.rel $0x88, $3  }
0x1: {  	(tag) =	ssettag $0x0;
	lr =	simm.s32 $0x1  }
0x2: {  	[smem:$0x3F96] =	sst lr;
	_ =	strace $0xD0000000  }
0x3: {  	_ = 	snop  }
0x4: {  	_ = 	snop  }
0x5: {  	_ = 	snop  }
0x6: {  	_ = 	snop  }
0x7: {  	_ = 	snop  }
__scs_overlays_trampoline_lowered:
0x8: {  	[smem:$0x3FA5] =	sst s0  }
0x9: {  	[smem:$0x3FA6] =	sst s1  }
0xa: {  	[smem:$0x3FA7] =	sst s2  }
0xb: {  	[smem:$0x3FA8] =	sst s3  }
0xc: {  	[smem:$0x3FA9] =	sst s4  }
0xd: {  	[smem:$0x3FAA] =	sst s5  }
0xe: {  	[smem:$0x3FAB] =	sst s6  }
0xf: {  	[smem:$0x3FAC] =	sst s7  }
0x10: {  	[smem:$0x3FAD] =	sst s8  }
0x11: {  	[smem:$0x3FAE] =	sst s9;
	s0 =	simm.s32 @!p0 $0x0  }
0x12: {  	s1 =	sld [smem:$0x3F94];
	s0 =	simm.s32 @p0 $0x1  }
0x13: {  	[smem:$0x3FAF] =	sst s0;
	s0 =	simm.s32 @!p1 $0x0  }
0x14: {  	s2 =	sld [smem:$0x3F93];
	s0 =	simm.s32 @p1 $0x1  }
0x15: {  	[smem:$0x3FB0] =	sst s0;
	s0 =	simm.s32 @!p2 $0x0  }
0x16: {  	s3 =	sld [smem:$0x3FDB];
	s0 =	simm.s32 @p2 $0x1  }
0x17: {  	s4 =	simm.s32 $0x1BF5;
	[smem:$0x3FB2] =	sst s0  }
0x18: {  	s0 =	sld [smem:$0x3F95];
	_ =	swait.ge [sflag:s4], $0x0  }
0x19: {  	s7 =	sld [smem:$0x3F96]  }
0x1a: {  	s8 =	sadd.s32 $0xFFFFE003, lr  }
0x1b: {  	s9 =	sadd.s32 $0xFFFFFEF7, lr;
	s5 =	simm.s32 $0xFFFFFFFF;
	p2 =	slt.u32 s8, $0xFFFFF086  }
0x1c: {  	p1 =	slt.u32 s9, $0xF7A;
	s5 =	simm.s32 @!p2 $0x0  }
0x1d: {  	s5 =	simm.s32 @p1 $0x1;
	p0 =	seq.s32 s7, s2  }
0x1e: {  	s7 =	smul.u32 @!p0 $0xF7A, s2;
	p2 =	seq.s32 @!p0 s5, $0x0  }
0x1f: {  	s9 =	smul.u32 $0xF7A, s1;
	s8 =	simm.s32 @!p0 $0x1BF5;
	p2 =	por !p2, p0  }
0x20: {  	[sflag:s8] =	ssyncset.s32 @!p0 $0xFFFFF086;
	s6 =	sadd.s32 @!p0 s3, s7;
	s7 =	simm.s32 @!p0 $0x108  }
0x21: {  	s3 =	sadd.s32 s3, s9;
	s6 =	sadd.s32 @!p0 $0x88, s6;
	s7 =	simm.s32 @p2 $0x1082  }
0x22: {  	[simem:s7], [sflag:s8] =	dma.local @!p0 [hbm:s6], $0xF7A  }
0x23: {  	s9 =	sor.u32 $0xD0000000, s2;
	s6 =	simm.s32 $0x108;
	_ =	swait.ge @!p0 [sflag:s8], $0x0  }
0x24: {  	s3 =	sadd.s32 $0x88, s3;
	s6 =	simm.s32 @!p1 $0x1082;
	[sflag:s4] =	ssyncset.s32 $0xFFFFF086  }
0x25: {  	[simem:s6], [sflag:s4] =	dma.local [hbm:s3], $0xF7A  }
0x26: {  	[smem:$0x3F96] =	sst s1;
	(tag) =	ssettag s2;
	_ =	strace s9  }
0x27: {  	s1 =	sld [smem:$0x3FA6]  }
0x28: {  	s2 =	sld [smem:$0x3FA7]  }
0x29: {  	s4 =	sld [smem:$0x3FA9]  }
0x2a: {  	p0 =	seq.s32 s5, $0x0;
	s5 =	sld [smem:$0x3FAA]  }
0x2b: {  	s6 =	sld [smem:$0x3FAB]  }
0x2c: {  	s7 =	sld [smem:$0x3FAC]  }
0x2d: {  	s3 =	simm.s32 $0x108;
	s8 =	sld [smem:$0x3FAD]  }
0x2e: {  	s3 =	simm.s32 @!p0 $0x1082;
	s9 =	sld [smem:$0x3FAE]  }
0x2f: {  	lr =	sadd.s32 s0, s3;
	s0 =	sld [smem:$0x3FA5]  }
0x30: {  	s3 =	sld [smem:$0x3FA8]  }
0x31: {  	[smem:$0x3FB1] =	sst s10  }
0x32: {  	s10 =	sld [smem:$0x3FAF];
	_ =	sdelay $0x3  }
0x33: {  	p0 =	seq.s32 s10, $0x1;
	s10 =	sld [smem:$0x3FB1];
	_ =	sdelay $0x3  }
0x34: {  	[smem:$0x3FB1] =	sst s10  }
0x35: {  	s10 =	sld [smem:$0x3FB0];
	_ =	sdelay $0x3  }
0x36: {  	p1 =	seq.s32 s10, $0x1;
	s10 =	sld [smem:$0x3FB1];
	_ =	sdelay $0x3  }
0x37: {  	[smem:$0x3FB1] =	sst s10  }
0x38: {  	s10 =	sld [smem:$0x3FB2]  }
0x39: {  	_ = 	snop;
	(pc) =	sbr.ind lr, $3  }
0x3a: {  	_ = 	snop  }
0x3b: {  	_ = 	snop  }
0x3c: {  	p2 =	seq.s32 s10, $0x1;
	s10 =	sld [smem:$0x3FB1]  }
0x3d: {  	_ =	shalt  }
0x3e: {  	_ =	shalt  }
0x3f: {  	_ =	shalt  }
0x40: {  	_ =	shalt  }
0x41: {  	_ =	shalt  }
0x42: {  	_ =	shalt  }
0x43: {  	_ =	shalt  }
0x44: {  	_ =	shalt  }
0x45: {  	_ =	shalt  }
0x46: {  	_ =	shalt  }
0x47: {  	_ =	shalt  }
0x48: {  	_ =	shalt  }
0x49: {  	_ =	shalt  }
0x4a: {  	_ =	shalt  }
0x4b: {  	_ =	shalt  }
0x4c: {  	_ =	shalt  }
0x4d: {  	_ =	shalt  }
0x4e: {  	_ =	shalt  }
0x4f: {  	_ =	shalt  }
0x50: {  	_ =	shalt  }
0x51: {  	_ =	shalt  }
0x52: {  	_ =	shalt  }
0x53: {  	_ =	shalt  }
0x54: {  	_ =	shalt  }
0x55: {  	_ =	shalt  }
0x56: {  	_ =	shalt  }
0x57: {  	_ =	shalt  }
0x58: {  	_ =	shalt  }
0x59: {  	_ =	shalt  }
0x5a: {  	_ =	shalt  }
0x5b: {  	_ =	shalt  }
0x5c: {  	_ =	shalt  }
0x5d: {  	_ =	shalt  }
0x5e: {  	_ =	shalt  }
0x5f: {  	_ =	shalt  }
0x60: {  	_ =	shalt  }
0x61: {  	_ =	shalt  }
0x62: {  	_ =	shalt  }
0x63: {  	_ =	shalt  }
0x64: {  	_ =	shalt  }
0x65: {  	_ =	shalt  }
0x66: {  	_ =	shalt  }
0x67: {  	_ =	shalt  }
0x68: {  	_ =	shalt  }
0x69: {  	_ =	shalt  }
0x6a: {  	_ =	shalt  }
0x6b: {  	_ =	shalt  }
0x6c: {  	_ =	shalt  }
0x6d: {  	_ =	shalt  }
0x6e: {  	_ =	shalt  }
0x6f: {  	_ =	shalt  }
0x70: {  	_ =	shalt  }
0x71: {  	_ =	shalt  }
0x72: {  	_ =	shalt  }
0x73: {  	_ =	shalt  }
0x74: {  	_ =	shalt  }
0x75: {  	_ =	shalt  }
0x76: {  	_ =	shalt  }
0x77: {  	_ =	shalt  }
0x78: {  	_ =	shalt  }
0x79: {  	_ =	shalt  }
0x7a: {  	_ =	shalt  }
0x7b: {  	_ =	shalt  }
0x7c: {  	_ =	shalt  }
0x7d: {  	_ =	shalt  }
0x7e: {  	_ =	shalt  }
0x7f: {  	_ =	shalt  }
0x80: {  	_ =	shalt  }
0x81: {  	_ =	shalt  }
0x82: {  	_ =	shalt  }
0x83: {  	_ =	shalt  }
0x84: {  	_ =	shalt  }
0x85: {  	_ =	shalt  }
0x86: {  	_ =	shalt  }
0x87: {  	_ =	shalt  }
.Lfunc_end0:
.L_simem_size_0:
called_computation.1_lowered:
.L_overlay_start_0:
0x88: {  	s2 =	sld [smem:$0x3FD9]  }
0x89: {  	s3 =	sld [smem:$0x3FFE];
	_ =	sdelay $0x1  }
0x8a: {  	s1 =	srdreg.scid  }
0x8b: {  	s0 =	sand.u32 $0x1, s1  }
0x8c: {  	s17 =	sshll.u32 s0, $0xA;
	s2 =	sadd.s32 s3, s2  }
0x8d: {  	s2 =	sadd.s32 s2, s17  }
0x8e: {  	[smem:$0x3FBD] =	sst s2  }
0x8f: {  	_ = 	snop  }
0x90: {  	s2 =	sld [smem:$0x3FD0];
	(tm) =	ssettm $0x1  }
0x91: {  	s18 =	sld [smem:$0x3FFB];
	_ =	sdelay $0x3  }
0x92: {  	_ =	strace s18  }
0x93: {  	s3 =	sld [smem:$0x3FFC];
	_ =	sdelay $0x3  }
0x94: {  	_ =	strace s3  }
0x95: {  	s3 =	sld [smem:$0x3FFD];
	_ =	sdelay $0x3  }
0x96: {  	_ =	strace s3  }
0x97: {  	_ =	strace $0x8FFFFFFF  }
0x98: {  	s19 =	sld [smem:$0x3FDB];
	_ =	sdelay $0x1  }
0x99: {  	s4 =	simm.s32 $_scs_section_size  }
0x9a: {  	s5 =	simm.s32 $_size__tile_overlayer_lowered;
	s6 =	simm.s32 $_tile_overlayer_lowered  }
0x9b: {  	s22 =	simm.s32 $0x1BFF;
	s21 =	sshll.u32 s6, $0x1;
	s3 =	sadd.s32 s4, s19  }
0x9c: {  	s7 =	simm.s32 $0x0;
	s20 =	sshll.u32 s5, $0x1;
	s5 =	sadd.s32 s21, s3  }
0x9d: {  	[timem:s7], [sflag:s22] =	dma.local [hbm:s5], s20  }
0x9e: {  	_ =	swait.ge [sflag:s22], s20  }
0x9f: {  	s4 =	ssub.s32 $0x0, s20;
	[sflag:s22] =	ssyncset.done $0x0  }
0xa0: {  	[sflag:s22] =	ssyncadd.s32 s4;
	_ =	sdelay $0x1  }
0xa1: {  	s23 =	simm.s32 $0x1B8B  }
0xa2: {  	_ =	swait.ge [sflag:s23], $0x1  }
0xa3: {  	[sflag:s23] =	ssyncset.done $0x0  }
0xa4: {  	s25 =	simm.s32 $0x1B8E;
	s24 =	sld [smem:$0x3FFE];
	[sflag:s23] =	ssyncadd.s32 $0xFFFFFFFF  }
0xa5: {  	s26 =	simm.s32 $execute0_lowered;
	[smem:$0x3FD2] =	sst s25  }
0xa6: {  	s5 =	sshll.u32 s26, $0x1;
	_ =	strace $0x80000046;
	[dreg:$0x1] =	wrdreg $0xFFFFFFFF  }
0xa7: {  	s28 =	simm.s32 $_size_execute0_lowered;
	s3 =	sadd.s32 s3, s5;
	[dreg:$0x0] =	wrdreg $0x0  }
0xa8: {  	s5 =	sshll.u32 s28, $0x1;
	[dreg:$0x2] =	wrdreg s3  }
0xa9: {  	[dreg:$0x3] =	wrdreg s5  }
0xaa: {  	[dreg:$0x4] =	wrdreg $0xC0  }
0xab: {  	_ =	task [dreg:s7], $0x5FFFF  }
0xac: {  	[dreg:$0x1] =	wrdreg $0xFFFFFFFF  }
0xad: {  	[dreg:$0x0] =	wrdreg $0x60  }
0xae: {  	[dreg:$0x2] =	wrdreg s24  }
0xaf: {  	[dreg:$0x3] =	wrdreg s2  }
0xb0: {  	[dreg:$0x4] =	wrdreg $0x90000  }
0xb1: {  	[dreg:$0x5] =	wrdreg $0xA  }
0xb2: {  	_ =	task.clear_ibuf [dreg:s7], $0x6FFFF;
	_ =	strace $0x90000046  }
0xb3: {  	s29 =	simm.s32 $0xA;
	_ =	strace $0x80000048  }
0xb4: {  	_ =	swait.ge [sflag:s29], $0x1  }
0xb5: {  	[sflag:s29] =	ssyncadd.s32 $0xFFFFFFFF  }
0xb6: {  	_ =	strace $0x90000048  }
0xb7: {  	_ =	sfence  }
0xb8: {  	s30 =	sld [smem:$0x0];
	_ =	sdelay $0x2  }
0xb9: {  	s31 =	sshll.u32 s1, $0xD;
	s1 =	sshrl.u32 s1, $0x2  }
0xba: {  	s3 =	sand.u32 $0x4000, s31;
	s1 =	sadd.s32 s1, s30  }
0xbb: {  	s0 =	sor.u32 s3, s0;
	s1 =	sshll.u32 s1, $0x11  }
0xbc: {  	s0 =	sor.u32 s1, s0  }
0xbd: {  	s0 =	sadd.s32 $0x8F2B, s0  }
0xbe: {  	[sflag:s0] =	ssyncadd.remote.s32 $0x1  }
0xbf: {  	_ =	sfence.sel $0xFFFF  }
0xc0: {  	[dreg:$0x0] =	wrdreg $0xFFFFFFFF;
	(pc) =	sbr.abs _section_cstart, $3  }
0xc1: {  	[dreg:$0x1] =	wrdreg $0xFFFFFFFF  }
0xc2: {  	_ =	task.clear_ibuf [dreg:s7], $0x2FFFF;
	_ =	strace $0x9FFFFFFF  }
0xc3: {  	(tm) =	ssettm $0x7FFFFFFF  }
tec
execute0_lowered:
.L_overlay_start_1:
0x0: {  	(tag) =	ssettag $0x1  }
0x1: {  	s5 =	rddreg [dreg:$0x0]  }
0x2: {  	s0 =	srdreg.scid;
	s7 =	rddreg [dreg:$0x1]  }
0x3: {  	s2 =	rddreg [dreg:$0x2];
	s3 =	simm.s32 $0x0;
	s15 =	simm.s32 $0x5000  }
0x4: {  	s16 =	simm.s32 $0x7000;
	s17 =	simm.s32 $0x1;
	s18 =	simm.s32 $0x2  }
0x5: {  	s19 =	simm.s32 $0x80;
	s6 =	sand.u32 $0x1, s0;
	s0 =	stileid.u32  }
0x6: {  	s20 =	simm.s32 $0x0;
	[smem:$0x7FF] =	sst s3;
	s9 =	smul.u32 $0x14000, s0  }
0x7: {  	s1 =	sshll.u32 s6, $0x4;
	s10 =	smul.u32 $0x140000, s6;
	s6 =	ssub.s32 $0x2, s6  }
0x8: {  	s30 =	smul.u32 $0x50000, s0;
	s31 =	sshll.u32 s0, $0x6;
	s4 =	sor.u32 s0, s1  }
0x9: {  	s1 =	rddreg [dreg:$0x3];
	_ =	strace $0x80000047;
	s13 =	sshrl.u32 s6, $0x1  }
0xa: {  	s8 =	smul.u32 $0x500, s4;
	s4 =	sadd.s32 $0xC600, s5;
	s12 =	sshrl.u32 s9, $0x3  }
0xb: {  	s9 =	sadd.s32 s9, s10;
	s13 =	ssub.s32 s6, s13;
	s10 =	sshrl.u32 s30, $0x2  }
0xc: {  	s12 =	sadd.s32 s12, s5;
	s9 =	sshrl.u32 s9, $0x3;
	s14 =	sadd.s32 s10, s2  }
0xd: {  	s10 =	simm.s32 $0x3;
	s11 =	sadd.s32 s8, s5;
	s9 =	sadd.s32 s9, s5  }
0xe: {  	s6 =	sadd.s32 s7, s8;
	s7 =	sadd.s32 $0x34600, s12;
	s12 =	sor.u32 $0x1C03, s31  }
0xf: {  	s5 =	sadd.s32 $0x2600, s11;
	s8 =	sadd.s32 $0x5C600, s9;
	s9 =	smax.u32 s13, $0x1  }
0x10: {  	s11 =	simm.s32 $0x2800;
	s13 =	sshrl.u32 s14, $0x3;
	s14 =	simm.s32 $0x40  }
.LBB2_1:
0x11: {  	[tilespmem:s3], [sflag:$0x3] =	stream.linear.gather [hbm4b:s5+s3], $0x2780, $0x38;
	[tilespmem:$0x1D000] =	vst v63  }
0x12: {  	_ =	swait.ge [sflag:s10], $0x2780  }
0x13: {  	[sflag:s10] =	ssyncset.done $0x0  }
0x14: {  	[sflag:s10] =	ssyncadd.s32 $0xFFFFD880  }
0x15: {  	[tilespmem:s11], [sflag:$0x3] =	stream.linear.gather [hbm4b:s6+s3], $0x2780, $0x38;
	[tilespmem:$0x1D000] =	vst v63  }
0x16: {  	_ =	swait.ge [sflag:s10], $0x2780  }
0x17: {  	[sflag:s10] =	ssyncset.done $0x0  }
0x18: {  	[sflag:s10] =	ssyncadd.s32 $0xFFFFD880  }
0x19: {  	[spmem:s13], [sflag:s12] =	dma.local [hbm:s7], $0x2800  }
0x1a: {  	_ =	swait.ge [sflag:s10], $0x2800  }
0x1b: {  	[sflag:s10] =	ssyncset.done $0x0  }
0x1c: {  	[sflag:s10] =	ssyncadd.s32 $0xFFFFD800  }
0x1d: {  	s21 =	simm.s32 $0x0;
	[bflag:$0x0] =	sbarrier.arrive $0xFFFF  }
0x1e: {  	[tilespmem:s15], [sflag:$0x1] =	stream.indirect.gather [hbm4b:s4+s14], $0x80, s21, s14, $0xb8;
	[tilespmem:$0x1D000] =	vst v63  }
0x1f: {  	s30 =	simm.s32 $0x40  }
0x20: {  	[tilespmem:s16], [sflag:$0x2] =	stream.indirect.gather [hbm4b:s4+s14], $0x80, s30, s14, $0xb8;
	[tilespmem:$0x1D000] =	vst v63  }
0x21: {  	_ =	swait.ge [sflag:s17], $0x2000  }
0x22: {  	[sflag:s17] =	ssyncset.done $0x0  }
0x23: {  	[sflag:s17] =	ssyncadd.s32 $0xFFFFE000  }
0x24: {  	_ =	swait.ge [sflag:s18], $0x2000  }
0x25: {  	[sflag:s18] =	ssyncset.done $0x0  }
0x26: {  	s31 =	simm.s32 $0x2800;
	[sflag:s18] =	ssyncadd.s32 $0xFFFFE000  }
0x27: {  	[spmem:s2] =	stream.indirect.scatter.add.f32 [tilespmem:s15], [sflag:$0x3], $0x80, s31, s19, $0xb8;
	[tilespmem:$0x1D000] =	vst v63  }
0x28: {  	_ =	swait.ge [sflag:s10], $0x4000  }
0x29: {  	s22 =	simm.s32 $0x400;
	s21 =	simm.s32 $0x200;
	[sflag:s10] =	ssyncset.done $0x0  }
.LBB2_2:
0x2a: {  	s23 =	sshra.s32 s21, $0x2  }
0x2b: {  	[sflag:s10] =	ssyncadd.s32 $0xFFFFC000;
	s21 =	smov.u32 s22;
	s24 =	sadd.s32 $0x200, s22  }
0x2c: {  	[tilespmem:s15], [sflag:$0x1] =	stream.indirect.gather [hbm4b:s4+s14], $0x80, s23, s14, $0xb8;
	[tilespmem:$0x1D000] =	vst v63  }
0x2d: {  	p0 =	sne.s32 s22, $0x9C00;
	s22 =	sadd.s32 $0x40, s23  }
0x2e: {  	[tilespmem:s16], [sflag:$0x2] =	stream.indirect.gather [hbm4b:s4+s14], $0x80, s22, s14, $0xb8;
	[tilespmem:$0x1D000] =	vst v63  }
0x2f: {  	_ =	swait.ge [sflag:s17], $0x2000  }
0x30: {  	[sflag:s17] =	ssyncset.done $0x0  }
0x31: {  	[sflag:s17] =	ssyncadd.s32 $0xFFFFE000  }
0x32: {  	_ =	swait.ge [sflag:s18], $0x2000  }
.Ltmp0:
0x33: {  	[sflag:s18] =	ssyncset.done $0x0;
	(pc) =	sbr.rel @p0 .LBB2_2-.Ltmp0, $4  }
0x34: {  	s22 =	sadd.s32 $0x2800, s23;
	[sflag:s18] =	ssyncadd.s32 $0xFFFFE000  }
0x35: {  	[spmem:s2] =	stream.indirect.scatter.add.f32 [tilespmem:s15], [sflag:$0x3], $0x80, s22, s19, $0xb8;
	[tilespmem:$0x1D000] =	vst v63  }
0x36: {  	_ =	swait.ge [sflag:s10], $0x4000  }
0x37: {  	s22 =	smov.u32 s24;
	[sflag:s10] =	ssyncset.done $0x0  }
0x38: {  	s21 =	sshra.s32 s21, $0x2;
	[sflag:s10] =	ssyncadd.s32 $0xFFFFC000  }
0x39: {  	[tilespmem:s15], [sflag:$0x1] =	stream.indirect.gather [hbm4b:s4+s14], $0x80, s21, s14, $0xb8;
	[tilespmem:$0x1D000] =	vst v63  }
0x3a: {  	s22 =	sadd.s32 $0x40, s21  }
0x3b: {  	[tilespmem:s16], [sflag:$0x2] =	stream.indirect.gather [hbm4b:s4+s14], $0x80, s22, s14, $0xb8;
	[tilespmem:$0x1D000] =	vst v63  }
0x3c: {  	_ =	swait.ge [sflag:s17], $0x2000  }
0x3d: {  	[sflag:s17] =	ssyncset.done $0x0  }
0x3e: {  	[sflag:s17] =	ssyncadd.s32 $0xFFFFE000  }
0x3f: {  	_ =	swait.ge [sflag:s18], $0x2000  }
0x40: {  	[sflag:s18] =	ssyncset.done $0x0  }
0x41: {  	s21 =	sadd.s32 $0x2800, s21;
	[sflag:s18] =	ssyncadd.s32 $0xFFFFE000  }
0x42: {  	[spmem:s2] =	stream.indirect.scatter.add.f32 [tilespmem:s15], [sflag:$0x3], $0x80, s21, s19, $0xb8;
	[tilespmem:$0x1D000] =	vst v63  }
0x43: {  	_ =	swait.ge [sflag:s10], $0x4000  }
0x44: {  	s20 =	sadd.s32 $0x1, s20;
	[sflag:s10] =	ssyncset.done $0x0  }
0x45: {  	p0 =	sne.s32 s20, s9;
	[sflag:s10] =	ssyncadd.s32 $0xFFFFC000  }
.Ltmp1:
0x46: {  	[bflag:$0x0] =	sbarrier.arrive $0xFFFF;
	(pc) =	sbr.rel @p0 .LBB2_1-.Ltmp1, $4  }
0x47: {  	[hbm:s8], [sflag:s12] =	dma.local [spmem:s13], $0x2800  }
0x48: {  	_ =	swait.ge [sflag:s10], $0x2800  }
0x49: {  	[sflag:s10] =	ssyncset.done $0x0  }
0x4a: {  	[sflag:s10] =	ssyncadd.s32 $0xFFFFD800  }
0x4b: {  	_ =	sfence.sel $0x180000  }
0x4c: {  	[bflag:$0x0] =	sbarrier.arrive $0xFFFF  }
0x4d: {  	p0 =	sne.s32 s0, $0x0;
	_ =	strace $0x90000047  }
0x4e: {  	s0 =	sadd.s32 @!p0 $0x100000, s1;
	[bflag:$0x2] =	sbarrier.arrive $0xFFFF  }
0x4f: {  	[sflag:s0] =	ssyncadd.tile.s32 @!p0 $0x1;
	_ =	shalt  }
.Lfunc_end2:
_tile_overlayer_lowered:
.L_overlay_start_2:
0x50: {  	(tag) =	ssettag $0x2  }
0x51: {  	s0 =	rddreg [dreg:$0x0];
	s2 =	stileid.u32  }
0x52: {  	s1 =	rddreg [dreg:$0x1];
	p0 =	sne.s32 s2, $0x0  }
0x53: {  	s3 =	rddreg [dreg:$0x2];
	[bflag:$0x3] =	sbarrier.arrive $0xFFFF;
	s2 =	simm.s32 @!p0 $0x1C03  }
0x54: {  	[timem:s3], [sflag:s2] =	dma.local @!p0 [hbm:s0], s1  }
0x55: {  	s0 =	simm.s32 @!p0 $0x3  }
0x56: {  	_ =	swait.ge @!p0 [sflag:s0], s1  }
0x57: {  	s1 =	ssub.s32 @!p0 $0x0, s1;
	[sflag:s0] =	ssyncset.done @!p0 $0x0  }
0x58: {  	[sflag:s0] =	ssyncadd.s32 @!p0 s1  }
0x59: {  	[bflag:$0x3] =	sbarrier.arrive $0xFFFF  }
0x5a: {  	_ =	shalt  }

// kernel: sc_agg.7.cloned.1.call-start
scs
__scs_entry_jumppad:
0x0: {  	(pc) =	sbr.rel $0x88, $3  }
0x1: {  	(tag) =	ssettag $0x0;
	lr =	simm.s32 $0x1  }
0x2: {  	[smem:$0x3F96] =	sst lr;
	_ =	strace $0xD0000000  }
0x3: {  	_ = 	snop  }
0x4: {  	_ = 	snop  }
0x5: {  	_ = 	snop  }
0x6: {  	_ = 	snop  }
0x7: {  	_ = 	snop  }
__scs_overlays_trampoline_lowered:
0x8: {  	[smem:$0x3FA5] =	sst s0  }
0x9: {  	[smem:$0x3FA6] =	sst s1  }
0xa: {  	[smem:$0x3FA7] =	sst s2  }
0xb: {  	[smem:$0x3FA8] =	sst s3  }
0xc: {  	[smem:$0x3FA9] =	sst s4  }
0xd: {  	[smem:$0x3FAA] =	sst s5  }
0xe: {  	[smem:$0x3FAB] =	sst s6  }
0xf: {  	[smem:$0x3FAC] =	sst s7  }
0x10: {  	[smem:$0x3FAD] =	sst s8  }
0x11: {  	[smem:$0x3FAE] =	sst s9;
	s0 =	simm.s32 @!p0 $0x0  }
0x12: {  	s1 =	sld [smem:$0x3F94];
	s0 =	simm.s32 @p0 $0x1  }
0x13: {  	[smem:$0x3FAF] =	sst s0;
	s0 =	simm.s32 @!p1 $0x0  }
0x14: {  	s2 =	sld [smem:$0x3F93];
	s0 =	simm.s32 @p1 $0x1  }
0x15: {  	[smem:$0x3FB0] =	sst s0;
	s0 =	simm.s32 @!p2 $0x0  }
0x16: {  	s3 =	sld [smem:$0x3FDB];
	s0 =	simm.s32 @p2 $0x1  }
0x17: {  	s4 =	simm.s32 $0x1BF5;
	[smem:$0x3FB2] =	sst s0  }
0x18: {  	s0 =	sld [smem:$0x3F95];
	_ =	swait.ge [sflag:s4], $0x0  }
0x19: {  	s7 =	sld [smem:$0x3F96]  }
0x1a: {  	s8 =	sadd.s32 $0xFFFFE003, lr  }
0x1b: {  	s9 =	sadd.s32 $0xFFFFFEF7, lr;
	s5 =	simm.s32 $0xFFFFFFFF;
	p2 =	slt.u32 s8, $0xFFFFF086  }
0x1c: {  	p1 =	slt.u32 s9, $0xF7A;
	s5 =	simm.s32 @!p2 $0x0  }
0x1d: {  	s5 =	simm.s32 @p1 $0x1;
	p0 =	seq.s32 s7, s2  }
0x1e: {  	s7 =	smul.u32 @!p0 $0xF7A, s2;
	p2 =	seq.s32 @!p0 s5, $0x0  }
0x1f: {  	s9 =	smul.u32 $0xF7A, s1;
	s8 =	simm.s32 @!p0 $0x1BF5;
	p2 =	por !p2, p0  }
0x20: {  	[sflag:s8] =	ssyncset.s32 @!p0 $0xFFFFF086;
	s6 =	sadd.s32 @!p0 s3, s7;
	s7 =	simm.s32 @!p0 $0x108  }
0x21: {  	s3 =	sadd.s32 s3, s9;
	s6 =	sadd.s32 @!p0 $0x88, s6;
	s7 =	simm.s32 @p2 $0x1082  }
0x22: {  	[simem:s7], [sflag:s8] =	dma.local @!p0 [hbm:s6], $0xF7A  }
0x23: {  	s9 =	sor.u32 $0xD0000000, s2;
	s6 =	simm.s32 $0x108;
	_ =	swait.ge @!p0 [sflag:s8], $0x0  }
0x24: {  	s3 =	sadd.s32 $0x88, s3;
	s6 =	simm.s32 @!p1 $0x1082;
	[sflag:s4] =	ssyncset.s32 $0xFFFFF086  }
0x25: {  	[simem:s6], [sflag:s4] =	dma.local [hbm:s3], $0xF7A  }
0x26: {  	[smem:$0x3F96] =	sst s1;
	(tag) =	ssettag s2;
	_ =	strace s9  }
0x27: {  	s1 =	sld [smem:$0x3FA6]  }
0x28: {  	s2 =	sld [smem:$0x3FA7]  }
0x29: {  	s4 =	sld [smem:$0x3FA9]  }
0x2a: {  	p0 =	seq.s32 s5, $0x0;
	s5 =	sld [smem:$0x3FAA]  }
0x2b: {  	s6 =	sld [smem:$0x3FAB]  }
0x2c: {  	s7 =	sld [smem:$0x3FAC]  }
0x2d: {  	s3 =	simm.s32 $0x108;
	s8 =	sld [smem:$0x3FAD]  }
0x2e: {  	s3 =	simm.s32 @!p0 $0x1082;
	s9 =	sld [smem:$0x3FAE]  }
0x2f: {  	lr =	sadd.s32 s0, s3;
	s0 =	sld [smem:$0x3FA5]  }
0x30: {  	s3 =	sld [smem:$0x3FA8]  }
0x31: {  	[smem:$0x3FB1] =	sst s10  }
0x32: {  	s10 =	sld [smem:$0x3FAF];
	_ =	sdelay $0x3  }
0x33: {  	p0 =	seq.s32 s10, $0x1;
	s10 =	sld [smem:$0x3FB1];
	_ =	sdelay $0x3  }
0x34: {  	[smem:$0x3FB1] =	sst s10  }
0x35: {  	s10 =	sld [smem:$0x3FB0];
	_ =	sdelay $0x3  }
0x36: {  	p1 =	seq.s32 s10, $0x1;
	s10 =	sld [smem:$0x3FB1];
	_ =	sdelay $0x3  }
0x37: {  	[smem:$0x3FB1] =	sst s10  }
0x38: {  	s10 =	sld [smem:$0x3FB2]  }
0x39: {  	_ = 	snop;
	(pc) =	sbr.ind lr, $3  }
0x3a: {  	_ = 	snop  }
0x3b: {  	_ = 	snop  }
0x3c: {  	p2 =	seq.s32 s10, $0x1;
	s10 =	sld [smem:$0x3FB1]  }
0x3d: {  	_ =	shalt  }
0x3e: {  	_ =	shalt  }
0x3f: {  	_ =	shalt  }
0x40: {  	_ =	shalt  }
0x41: {  	_ =	shalt  }
0x42: {  	_ =	shalt  }
0x43: {  	_ =	shalt  }
0x44: {  	_ =	shalt  }
0x45: {  	_ =	shalt  }
0x46: {  	_ =	shalt  }
0x47: {  	_ =	shalt  }
0x48: {  	_ =	shalt  }
0x49: {  	_ =	shalt  }
0x4a: {  	_ =	shalt  }
0x4b: {  	_ =	shalt  }
0x4c: {  	_ =	shalt  }
0x4d: {  	_ =	shalt  }
0x4e: {  	_ =	shalt  }
0x4f: {  	_ =	shalt  }
0x50: {  	_ =	shalt  }
0x51: {  	_ =	shalt  }
0x52: {  	_ =	shalt  }
0x53: {  	_ =	shalt  }
0x54: {  	_ =	shalt  }
0x55: {  	_ =	shalt  }
0x56: {  	_ =	shalt  }
0x57: {  	_ =	shalt  }
0x58: {  	_ =	shalt  }
0x59: {  	_ =	shalt  }
0x5a: {  	_ =	shalt  }
0x5b: {  	_ =	shalt  }
0x5c: {  	_ =	shalt  }
0x5d: {  	_ =	shalt  }
0x5e: {  	_ =	shalt  }
0x5f: {  	_ =	shalt  }
0x60: {  	_ =	shalt  }
0x61: {  	_ =	shalt  }
0x62: {  	_ =	shalt  }
0x63: {  	_ =	shalt  }
0x64: {  	_ =	shalt  }
0x65: {  	_ =	shalt  }
0x66: {  	_ =	shalt  }
0x67: {  	_ =	shalt  }
0x68: {  	_ =	shalt  }
0x69: {  	_ =	shalt  }
0x6a: {  	_ =	shalt  }
0x6b: {  	_ =	shalt  }
0x6c: {  	_ =	shalt  }
0x6d: {  	_ =	shalt  }
0x6e: {  	_ =	shalt  }
0x6f: {  	_ =	shalt  }
0x70: {  	_ =	shalt  }
0x71: {  	_ =	shalt  }
0x72: {  	_ =	shalt  }
0x73: {  	_ =	shalt  }
0x74: {  	_ =	shalt  }
0x75: {  	_ =	shalt  }
0x76: {  	_ =	shalt  }
0x77: {  	_ =	shalt  }
0x78: {  	_ =	shalt  }
0x79: {  	_ =	shalt  }
0x7a: {  	_ =	shalt  }
0x7b: {  	_ =	shalt  }
0x7c: {  	_ =	shalt  }
0x7d: {  	_ =	shalt  }
0x7e: {  	_ =	shalt  }
0x7f: {  	_ =	shalt  }
0x80: {  	_ =	shalt  }
0x81: {  	_ =	shalt  }
0x82: {  	_ =	shalt  }
0x83: {  	_ =	shalt  }
0x84: {  	_ =	shalt  }
0x85: {  	_ =	shalt  }
0x86: {  	_ =	shalt  }
0x87: {  	_ =	shalt  }
.Lfunc_end0:
.L_simem_size_0:
called_computation.2_lowered:
.L_overlay_start_0:
0x88: {  	s2 =	sld [smem:$0x3FD9]  }
0x89: {  	s3 =	sld [smem:$0x3FFE];
	_ =	sdelay $0x1  }
0x8a: {  	s1 =	srdreg.scid  }
0x8b: {  	s0 =	sand.u32 $0x1, s1  }
0x8c: {  	s17 =	sshll.u32 s0, $0xA;
	s2 =	sadd.s32 s3, s2  }
0x8d: {  	s2 =	sadd.s32 s2, s17  }
0x8e: {  	[smem:$0x3FBD] =	sst s2  }
0x8f: {  	_ = 	snop  }
0x90: {  	s2 =	sld [smem:$0x3FD0];
	(tm) =	ssettm $0x1  }
0x91: {  	s18 =	sld [smem:$0x3FFB];
	_ =	sdelay $0x3  }
0x92: {  	_ =	strace s18  }
0x93: {  	s3 =	sld [smem:$0x3FFC];
	_ =	sdelay $0x3  }
0x94: {  	_ =	strace s3  }
0x95: {  	s3 =	sld [smem:$0x3FFD];
	_ =	sdelay $0x3  }
0x96: {  	_ =	strace s3  }
0x97: {  	_ =	strace $0x8FFFFFFF  }
0x98: {  	s19 =	sld [smem:$0x3FDB];
	_ =	sdelay $0x1  }
0x99: {  	s4 =	simm.s32 $_scs_section_size  }
0x9a: {  	s5 =	simm.s32 $_size__tile_overlayer_lowered;
	s6 =	simm.s32 $_tile_overlayer_lowered  }
0x9b: {  	s22 =	simm.s32 $0x1BFF;
	s21 =	sshll.u32 s6, $0x1;
	s3 =	sadd.s32 s4, s19  }
0x9c: {  	s7 =	simm.s32 $0x0;
	s20 =	sshll.u32 s5, $0x1;
	s5 =	sadd.s32 s21, s3  }
0x9d: {  	[timem:s7], [sflag:s22] =	dma.local [hbm:s5], s20  }
0x9e: {  	_ =	swait.ge [sflag:s22], s20  }
0x9f: {  	s4 =	ssub.s32 $0x0, s20;
	[sflag:s22] =	ssyncset.done $0x0  }
0xa0: {  	[sflag:s22] =	ssyncadd.s32 s4;
	_ =	sdelay $0x1  }
0xa1: {  	s23 =	simm.s32 $0x1B8B  }
0xa2: {  	_ =	swait.ge [sflag:s23], $0x1  }
0xa3: {  	[sflag:s23] =	ssyncset.done $0x0  }
0xa4: {  	s25 =	simm.s32 $0x1B8E;
	s24 =	sld [smem:$0x3FFE];
	[sflag:s23] =	ssyncadd.s32 $0xFFFFFFFF  }
0xa5: {  	s26 =	simm.s32 $execute0_lowered;
	[smem:$0x3FD2] =	sst s25  }
0xa6: {  	s5 =	sshll.u32 s26, $0x1;
	_ =	strace $0x8000004C;
	[dreg:$0x1] =	wrdreg $0xFFFFFFFF  }
0xa7: {  	s28 =	simm.s32 $_size_execute0_lowered;
	s3 =	sadd.s32 s3, s5;
	[dreg:$0x0] =	wrdreg $0x0  }
0xa8: {  	s5 =	sshll.u32 s28, $0x1;
	[dreg:$0x2] =	wrdreg s3  }
0xa9: {  	[dreg:$0x3] =	wrdreg s5  }
0xaa: {  	[dreg:$0x4] =	wrdreg $0xC0  }
0xab: {  	_ =	task [dreg:s7], $0x5FFFF  }
0xac: {  	[dreg:$0x1] =	wrdreg $0xFFFFFFFF  }
0xad: {  	[dreg:$0x0] =	wrdreg $0x60  }
0xae: {  	[dreg:$0x2] =	wrdreg s24  }
0xaf: {  	[dreg:$0x3] =	wrdreg s2  }
0xb0: {  	[dreg:$0x4] =	wrdreg $0x90000  }
0xb1: {  	[dreg:$0x5] =	wrdreg $0x9  }
0xb2: {  	_ =	task.clear_ibuf [dreg:s7], $0x6FFFF;
	_ =	strace $0x9000004C  }
0xb3: {  	s29 =	simm.s32 $0x9;
	_ =	strace $0x8000004E  }
0xb4: {  	_ =	swait.ge [sflag:s29], $0x1  }
0xb5: {  	[sflag:s29] =	ssyncadd.s32 $0xFFFFFFFF  }
0xb6: {  	_ =	strace $0x9000004E  }
0xb7: {  	_ =	sfence  }
0xb8: {  	s30 =	sld [smem:$0x0];
	_ =	sdelay $0x2  }
0xb9: {  	s31 =	sshll.u32 s1, $0xD;
	s1 =	sshrl.u32 s1, $0x2  }
0xba: {  	s3 =	sand.u32 $0x4000, s31;
	s1 =	sadd.s32 s1, s30  }
0xbb: {  	s0 =	sor.u32 s3, s0;
	s1 =	sshll.u32 s1, $0x11  }
0xbc: {  	s0 =	sor.u32 s1, s0  }
0xbd: {  	s0 =	sadd.s32 $0x8F2B, s0  }
0xbe: {  	[sflag:s0] =	ssyncadd.remote.s32 $0x1  }
0xbf: {  	_ =	sfence.sel $0xFFFF  }
0xc0: {  	[dreg:$0x0] =	wrdreg $0xFFFFFFFF;
	(pc) =	sbr.abs _section_cstart, $3  }
0xc1: {  	[dreg:$0x1] =	wrdreg $0xFFFFFFFF  }
0xc2: {  	_ =	task.clear_ibuf [dreg:s7], $0x2FFFF;
	_ =	strace $0x9FFFFFFF  }
0xc3: {  	(tm) =	ssettm $0x7FFFFFFF  }
tec
execute0_lowered:
.L_overlay_start_1:
0x0: {  	(tag) =	ssettag $0x1  }
0x1: {  	s5 =	rddreg [dreg:$0x0]  }
0x2: {  	s0 =	srdreg.scid;
	s7 =	rddreg [dreg:$0x1]  }
0x3: {  	s2 =	rddreg [dreg:$0x2];
	s3 =	simm.s32 $0x0;
	s15 =	simm.s32 $0x5000  }
0x4: {  	s16 =	simm.s32 $0x7000;
	s17 =	simm.s32 $0x1;
	s18 =	simm.s32 $0x2  }
0x5: {  	s19 =	simm.s32 $0x80;
	s6 =	sand.u32 $0x1, s0;
	s0 =	stileid.u32  }
0x6: {  	s20 =	simm.s32 $0x0;
	[smem:$0x7FF] =	sst s3;
	s9 =	smul.u32 $0x14000, s0  }
0x7: {  	s1 =	sshll.u32 s6, $0x4;
	s10 =	smul.u32 $0x140000, s6;
	s6 =	ssub.s32 $0x2, s6  }
0x8: {  	s30 =	smul.u32 $0x50000, s0;
	s31 =	sshll.u32 s0, $0x6;
	s4 =	sor.u32 s0, s1  }
0x9: {  	s1 =	rddreg [dreg:$0x3];
	_ =	strace $0x8000004D;
	s13 =	sshrl.u32 s6, $0x1  }
0xa: {  	s8 =	smul.u32 $0x500, s4;
	s4 =	sadd.s32 $0xC600, s5;
	s12 =	sshrl.u32 s9, $0x3  }
0xb: {  	s9 =	sadd.s32 s9, s10;
	s13 =	ssub.s32 s6, s13;
	s10 =	sshrl.u32 s30, $0x2  }
0xc: {  	s12 =	sadd.s32 s12, s5;
	s9 =	sshrl.u32 s9, $0x3;
	s14 =	sadd.s32 s10, s2  }
0xd: {  	s10 =	simm.s32 $0x3;
	s11 =	sadd.s32 s8, s5;
	s9 =	sadd.s32 s9, s5  }
0xe: {  	s6 =	sadd.s32 s7, s8;
	s7 =	sadd.s32 $0x34600, s12;
	s12 =	sor.u32 $0x1C03, s31  }
0xf: {  	s5 =	sadd.s32 $0x2600, s11;
	s8 =	sadd.s32 $0x5C600, s9;
	s9 =	smax.u32 s13, $0x1  }
0x10: {  	s11 =	simm.s32 $0x2800;
	s13 =	sshrl.u32 s14, $0x3;
	s14 =	simm.s32 $0x40  }
.LBB2_1:
0x11: {  	[tilespmem:s3], [sflag:$0x3] =	stream.linear.gather [hbm4b:s5+s3], $0x2780, $0x38;
	[tilespmem:$0x1D000] =	vst v63  }
0x12: {  	_ =	swait.ge [sflag:s10], $0x2780  }
0x13: {  	[sflag:s10] =	ssyncset.done $0x0  }
0x14: {  	[sflag:s10] =	ssyncadd.s32 $0xFFFFD880  }
0x15: {  	[tilespmem:s11], [sflag:$0x3] =	stream.linear.gather [hbm4b:s6+s3], $0x2780, $0x38;
	[tilespmem:$0x1D000] =	vst v63  }
0x16: {  	_ =	swait.ge [sflag:s10], $0x2780  }
0x17: {  	[sflag:s10] =	ssyncset.done $0x0  }
0x18: {  	[sflag:s10] =	ssyncadd.s32 $0xFFFFD880  }
0x19: {  	[spmem:s13], [sflag:s12] =	dma.local [hbm:s7], $0x2800  }
0x1a: {  	_ =	swait.ge [sflag:s10], $0x2800  }
0x1b: {  	[sflag:s10] =	ssyncset.done $0x0  }
0x1c: {  	[sflag:s10] =	ssyncadd.s32 $0xFFFFD800  }
0x1d: {  	s21 =	simm.s32 $0x0;
	[bflag:$0x0] =	sbarrier.arrive $0xFFFF  }
0x1e: {  	[tilespmem:s15], [sflag:$0x1] =	stream.indirect.gather [hbm4b:s4+s14], $0x80, s21, s14, $0xb8;
	[tilespmem:$0x1D000] =	vst v63  }
0x1f: {  	s30 =	simm.s32 $0x40  }
0x20: {  	[tilespmem:s16], [sflag:$0x2] =	stream.indirect.gather [hbm4b:s4+s14], $0x80, s30, s14, $0xb8;
	[tilespmem:$0x1D000] =	vst v63  }
0x21: {  	_ =	swait.ge [sflag:s17], $0x2000  }
0x22: {  	[sflag:s17] =	ssyncset.done $0x0  }
0x23: {  	[sflag:s17] =	ssyncadd.s32 $0xFFFFE000  }
0x24: {  	_ =	swait.ge [sflag:s18], $0x2000  }
0x25: {  	[sflag:s18] =	ssyncset.done $0x0  }
0x26: {  	s31 =	simm.s32 $0x2800;
	[sflag:s18] =	ssyncadd.s32 $0xFFFFE000  }
0x27: {  	[spmem:s2] =	stream.indirect.scatter.add.f32 [tilespmem:s15], [sflag:$0x3], $0x80, s31, s19, $0xb8;
	[tilespmem:$0x1D000] =	vst v63  }
0x28: {  	_ =	swait.ge [sflag:s10], $0x4000  }
0x29: {  	s22 =	simm.s32 $0x400;
	s21 =	simm.s32 $0x200;
	[sflag:s10] =	ssyncset.done $0x0  }
.LBB2_2:
0x2a: {  	s23 =	sshra.s32 s21, $0x2  }
0x2b: {  	[sflag:s10] =	ssyncadd.s32 $0xFFFFC000;
	s21 =	smov.u32 s22;
	s24 =	sadd.s32 $0x200, s22  }
0x2c: {  	[tilespmem:s15], [sflag:$0x1] =	stream.indirect.gather [hbm4b:s4+s14], $0x80, s23, s14, $0xb8;
	[tilespmem:$0x1D000] =	vst v63  }
0x2d: {  	p0 =	sne.s32 s22, $0x9C00;
	s22 =	sadd.s32 $0x40, s23  }
0x2e: {  	[tilespmem:s16], [sflag:$0x2] =	stream.indirect.gather [hbm4b:s4+s14], $0x80, s22, s14, $0xb8;
	[tilespmem:$0x1D000] =	vst v63  }
0x2f: {  	_ =	swait.ge [sflag:s17], $0x2000  }
0x30: {  	[sflag:s17] =	ssyncset.done $0x0  }
0x31: {  	[sflag:s17] =	ssyncadd.s32 $0xFFFFE000  }
0x32: {  	_ =	swait.ge [sflag:s18], $0x2000  }
.Ltmp0:
0x33: {  	[sflag:s18] =	ssyncset.done $0x0;
	(pc) =	sbr.rel @p0 .LBB2_2-.Ltmp0, $4  }
0x34: {  	s22 =	sadd.s32 $0x2800, s23;
	[sflag:s18] =	ssyncadd.s32 $0xFFFFE000  }
0x35: {  	[spmem:s2] =	stream.indirect.scatter.add.f32 [tilespmem:s15], [sflag:$0x3], $0x80, s22, s19, $0xb8;
	[tilespmem:$0x1D000] =	vst v63  }
0x36: {  	_ =	swait.ge [sflag:s10], $0x4000  }
0x37: {  	s22 =	smov.u32 s24;
	[sflag:s10] =	ssyncset.done $0x0  }
0x38: {  	s21 =	sshra.s32 s21, $0x2;
	[sflag:s10] =	ssyncadd.s32 $0xFFFFC000  }
0x39: {  	[tilespmem:s15], [sflag:$0x1] =	stream.indirect.gather [hbm4b:s4+s14], $0x80, s21, s14, $0xb8;
	[tilespmem:$0x1D000] =	vst v63  }
0x3a: {  	s22 =	sadd.s32 $0x40, s21  }
0x3b: {  	[tilespmem:s16], [sflag:$0x2] =	stream.indirect.gather [hbm4b:s4+s14], $0x80, s22, s14, $0xb8;
	[tilespmem:$0x1D000] =	vst v63  }
0x3c: {  	_ =	swait.ge [sflag:s17], $0x2000  }
0x3d: {  	[sflag:s17] =	ssyncset.done $0x0  }
0x3e: {  	[sflag:s17] =	ssyncadd.s32 $0xFFFFE000  }
0x3f: {  	_ =	swait.ge [sflag:s18], $0x2000  }
0x40: {  	[sflag:s18] =	ssyncset.done $0x0  }
0x41: {  	s21 =	sadd.s32 $0x2800, s21;
	[sflag:s18] =	ssyncadd.s32 $0xFFFFE000  }
0x42: {  	[spmem:s2] =	stream.indirect.scatter.add.f32 [tilespmem:s15], [sflag:$0x3], $0x80, s21, s19, $0xb8;
	[tilespmem:$0x1D000] =	vst v63  }
0x43: {  	_ =	swait.ge [sflag:s10], $0x4000  }
0x44: {  	s20 =	sadd.s32 $0x1, s20;
	[sflag:s10] =	ssyncset.done $0x0  }
0x45: {  	p0 =	sne.s32 s20, s9;
	[sflag:s10] =	ssyncadd.s32 $0xFFFFC000  }
.Ltmp1:
0x46: {  	[bflag:$0x0] =	sbarrier.arrive $0xFFFF;
	(pc) =	sbr.rel @p0 .LBB2_1-.Ltmp1, $4  }
0x47: {  	[hbm:s8], [sflag:s12] =	dma.local [spmem:s13], $0x2800  }
0x48: {  	_ =	swait.ge [sflag:s10], $0x2800  }
0x49: {  	[sflag:s10] =	ssyncset.done $0x0  }
0x4a: {  	[sflag:s10] =	ssyncadd.s32 $0xFFFFD800  }
0x4b: {  	_ =	sfence.sel $0x180000  }
0x4c: {  	[bflag:$0x0] =	sbarrier.arrive $0xFFFF  }
0x4d: {  	p0 =	sne.s32 s0, $0x0;
	_ =	strace $0x9000004D  }
0x4e: {  	s0 =	sadd.s32 @!p0 $0x100000, s1;
	[bflag:$0x2] =	sbarrier.arrive $0xFFFF  }
0x4f: {  	[sflag:s0] =	ssyncadd.tile.s32 @!p0 $0x1;
	_ =	shalt  }
.Lfunc_end2:
_tile_overlayer_lowered:
.L_overlay_start_2:
0x50: {  	(tag) =	ssettag $0x2  }
0x51: {  	s0 =	rddreg [dreg:$0x0];
	s2 =	stileid.u32  }
0x52: {  	s1 =	rddreg [dreg:$0x1];
	p0 =	sne.s32 s2, $0x0  }
0x53: {  	s3 =	rddreg [dreg:$0x2];
	[bflag:$0x3] =	sbarrier.arrive $0xFFFF;
	s2 =	simm.s32 @!p0 $0x1C03  }
0x54: {  	[timem:s3], [sflag:s2] =	dma.local @!p0 [hbm:s0], s1  }
0x55: {  	s0 =	simm.s32 @!p0 $0x3  }
0x56: {  	_ =	swait.ge @!p0 [sflag:s0], s1  }
0x57: {  	s1 =	ssub.s32 @!p0 $0x0, s1;
	[sflag:s0] =	ssyncset.done @!p0 $0x0  }
0x58: {  	[sflag:s0] =	ssyncadd.s32 @!p0 s1  }
0x59: {  	[bflag:$0x3] =	sbarrier.arrive $0xFFFF  }
0x5a: {  	_ =	shalt  }

// kernel: sc_deg.3.cloned.1.call-start
scs
__scs_entry_jumppad:
0x0: {  	(pc) =	sbr.rel $0x88, $3  }
0x1: {  	(tag) =	ssettag $0x0;
	lr =	simm.s32 $0x1  }
0x2: {  	[smem:$0x3F96] =	sst lr;
	_ =	strace $0xD0000000  }
0x3: {  	_ = 	snop  }
0x4: {  	_ = 	snop  }
0x5: {  	_ = 	snop  }
0x6: {  	_ = 	snop  }
0x7: {  	_ = 	snop  }
__scs_overlays_trampoline_lowered:
0x8: {  	[smem:$0x3FA5] =	sst s0  }
0x9: {  	[smem:$0x3FA6] =	sst s1  }
0xa: {  	[smem:$0x3FA7] =	sst s2  }
0xb: {  	[smem:$0x3FA8] =	sst s3  }
0xc: {  	[smem:$0x3FA9] =	sst s4  }
0xd: {  	[smem:$0x3FAA] =	sst s5  }
0xe: {  	[smem:$0x3FAB] =	sst s6  }
0xf: {  	[smem:$0x3FAC] =	sst s7  }
0x10: {  	[smem:$0x3FAD] =	sst s8  }
0x11: {  	[smem:$0x3FAE] =	sst s9;
	s0 =	simm.s32 @!p0 $0x0  }
0x12: {  	s1 =	sld [smem:$0x3F94];
	s0 =	simm.s32 @p0 $0x1  }
0x13: {  	[smem:$0x3FAF] =	sst s0;
	s0 =	simm.s32 @!p1 $0x0  }
0x14: {  	s2 =	sld [smem:$0x3F93];
	s0 =	simm.s32 @p1 $0x1  }
0x15: {  	[smem:$0x3FB0] =	sst s0;
	s0 =	simm.s32 @!p2 $0x0  }
0x16: {  	s3 =	sld [smem:$0x3FDB];
	s0 =	simm.s32 @p2 $0x1  }
0x17: {  	s4 =	simm.s32 $0x1BF5;
	[smem:$0x3FB2] =	sst s0  }
0x18: {  	s0 =	sld [smem:$0x3F95];
	_ =	swait.ge [sflag:s4], $0x0  }
0x19: {  	s7 =	sld [smem:$0x3F96]  }
0x1a: {  	s8 =	sadd.s32 $0xFFFFE003, lr  }
0x1b: {  	s9 =	sadd.s32 $0xFFFFFEF7, lr;
	s5 =	simm.s32 $0xFFFFFFFF;
	p2 =	slt.u32 s8, $0xFFFFF086  }
0x1c: {  	p1 =	slt.u32 s9, $0xF7A;
	s5 =	simm.s32 @!p2 $0x0  }
0x1d: {  	s5 =	simm.s32 @p1 $0x1;
	p0 =	seq.s32 s7, s2  }
0x1e: {  	s7 =	smul.u32 @!p0 $0xF7A, s2;
	p2 =	seq.s32 @!p0 s5, $0x0  }
0x1f: {  	s9 =	smul.u32 $0xF7A, s1;
	s8 =	simm.s32 @!p0 $0x1BF5;
	p2 =	por !p2, p0  }
0x20: {  	[sflag:s8] =	ssyncset.s32 @!p0 $0xFFFFF086;
	s6 =	sadd.s32 @!p0 s3, s7;
	s7 =	simm.s32 @!p0 $0x108  }
0x21: {  	s3 =	sadd.s32 s3, s9;
	s6 =	sadd.s32 @!p0 $0x88, s6;
	s7 =	simm.s32 @p2 $0x1082  }
0x22: {  	[simem:s7], [sflag:s8] =	dma.local @!p0 [hbm:s6], $0xF7A  }
0x23: {  	s9 =	sor.u32 $0xD0000000, s2;
	s6 =	simm.s32 $0x108;
	_ =	swait.ge @!p0 [sflag:s8], $0x0  }
0x24: {  	s3 =	sadd.s32 $0x88, s3;
	s6 =	simm.s32 @!p1 $0x1082;
	[sflag:s4] =	ssyncset.s32 $0xFFFFF086  }
0x25: {  	[simem:s6], [sflag:s4] =	dma.local [hbm:s3], $0xF7A  }
0x26: {  	[smem:$0x3F96] =	sst s1;
	(tag) =	ssettag s2;
	_ =	strace s9  }
0x27: {  	s1 =	sld [smem:$0x3FA6]  }
0x28: {  	s2 =	sld [smem:$0x3FA7]  }
0x29: {  	s4 =	sld [smem:$0x3FA9]  }
0x2a: {  	p0 =	seq.s32 s5, $0x0;
	s5 =	sld [smem:$0x3FAA]  }
0x2b: {  	s6 =	sld [smem:$0x3FAB]  }
0x2c: {  	s7 =	sld [smem:$0x3FAC]  }
0x2d: {  	s3 =	simm.s32 $0x108;
	s8 =	sld [smem:$0x3FAD]  }
0x2e: {  	s3 =	simm.s32 @!p0 $0x1082;
	s9 =	sld [smem:$0x3FAE]  }
0x2f: {  	lr =	sadd.s32 s0, s3;
	s0 =	sld [smem:$0x3FA5]  }
0x30: {  	s3 =	sld [smem:$0x3FA8]  }
0x31: {  	[smem:$0x3FB1] =	sst s10  }
0x32: {  	s10 =	sld [smem:$0x3FAF];
	_ =	sdelay $0x3  }
0x33: {  	p0 =	seq.s32 s10, $0x1;
	s10 =	sld [smem:$0x3FB1];
	_ =	sdelay $0x3  }
0x34: {  	[smem:$0x3FB1] =	sst s10  }
0x35: {  	s10 =	sld [smem:$0x3FB0];
	_ =	sdelay $0x3  }
0x36: {  	p1 =	seq.s32 s10, $0x1;
	s10 =	sld [smem:$0x3FB1];
	_ =	sdelay $0x3  }
0x37: {  	[smem:$0x3FB1] =	sst s10  }
0x38: {  	s10 =	sld [smem:$0x3FB2]  }
0x39: {  	_ = 	snop;
	(pc) =	sbr.ind lr, $3  }
0x3a: {  	_ = 	snop  }
0x3b: {  	_ = 	snop  }
0x3c: {  	p2 =	seq.s32 s10, $0x1;
	s10 =	sld [smem:$0x3FB1]  }
0x3d: {  	_ =	shalt  }
0x3e: {  	_ =	shalt  }
0x3f: {  	_ =	shalt  }
0x40: {  	_ =	shalt  }
0x41: {  	_ =	shalt  }
0x42: {  	_ =	shalt  }
0x43: {  	_ =	shalt  }
0x44: {  	_ =	shalt  }
0x45: {  	_ =	shalt  }
0x46: {  	_ =	shalt  }
0x47: {  	_ =	shalt  }
0x48: {  	_ =	shalt  }
0x49: {  	_ =	shalt  }
0x4a: {  	_ =	shalt  }
0x4b: {  	_ =	shalt  }
0x4c: {  	_ =	shalt  }
0x4d: {  	_ =	shalt  }
0x4e: {  	_ =	shalt  }
0x4f: {  	_ =	shalt  }
0x50: {  	_ =	shalt  }
0x51: {  	_ =	shalt  }
0x52: {  	_ =	shalt  }
0x53: {  	_ =	shalt  }
0x54: {  	_ =	shalt  }
0x55: {  	_ =	shalt  }
0x56: {  	_ =	shalt  }
0x57: {  	_ =	shalt  }
0x58: {  	_ =	shalt  }
0x59: {  	_ =	shalt  }
0x5a: {  	_ =	shalt  }
0x5b: {  	_ =	shalt  }
0x5c: {  	_ =	shalt  }
0x5d: {  	_ =	shalt  }
0x5e: {  	_ =	shalt  }
0x5f: {  	_ =	shalt  }
0x60: {  	_ =	shalt  }
0x61: {  	_ =	shalt  }
0x62: {  	_ =	shalt  }
0x63: {  	_ =	shalt  }
0x64: {  	_ =	shalt  }
0x65: {  	_ =	shalt  }
0x66: {  	_ =	shalt  }
0x67: {  	_ =	shalt  }
0x68: {  	_ =	shalt  }
0x69: {  	_ =	shalt  }
0x6a: {  	_ =	shalt  }
0x6b: {  	_ =	shalt  }
0x6c: {  	_ =	shalt  }
0x6d: {  	_ =	shalt  }
0x6e: {  	_ =	shalt  }
0x6f: {  	_ =	shalt  }
0x70: {  	_ =	shalt  }
0x71: {  	_ =	shalt  }
0x72: {  	_ =	shalt  }
0x73: {  	_ =	shalt  }
0x74: {  	_ =	shalt  }
0x75: {  	_ =	shalt  }
0x76: {  	_ =	shalt  }
0x77: {  	_ =	shalt  }
0x78: {  	_ =	shalt  }
0x79: {  	_ =	shalt  }
0x7a: {  	_ =	shalt  }
0x7b: {  	_ =	shalt  }
0x7c: {  	_ =	shalt  }
0x7d: {  	_ =	shalt  }
0x7e: {  	_ =	shalt  }
0x7f: {  	_ =	shalt  }
0x80: {  	_ =	shalt  }
0x81: {  	_ =	shalt  }
0x82: {  	_ =	shalt  }
0x83: {  	_ =	shalt  }
0x84: {  	_ =	shalt  }
0x85: {  	_ =	shalt  }
0x86: {  	_ =	shalt  }
0x87: {  	_ =	shalt  }
.Lfunc_end0:
.L_simem_size_0:
called_computation_lowered:
.L_overlay_start_0:
0x88: {  	s2 =	sld [smem:$0x3FD9]  }
0x89: {  	s3 =	sld [smem:$0x3FFE];
	_ =	sdelay $0x1  }
0x8a: {  	s1 =	srdreg.scid  }
0x8b: {  	s0 =	sand.u32 $0x1, s1  }
0x8c: {  	s17 =	sshll.u32 s0, $0xA;
	s2 =	sadd.s32 s3, s2  }
0x8d: {  	s2 =	sadd.s32 s2, s17  }
0x8e: {  	[smem:$0x3FBD] =	sst s2  }
0x8f: {  	_ = 	snop  }
0x90: {  	s18 =	sld [smem:$0x3FD0];
	(tm) =	ssettm $0x1  }
0x91: {  	s19 =	sld [smem:$0x3FFB];
	_ =	sdelay $0x3  }
0x92: {  	_ =	strace s19  }
0x93: {  	s2 =	sld [smem:$0x3FFC];
	_ =	sdelay $0x3  }
0x94: {  	_ =	strace s2  }
0x95: {  	s2 =	sld [smem:$0x3FFD];
	_ =	sdelay $0x3  }
0x96: {  	_ =	strace s2  }
0x97: {  	_ =	strace $0x8FFFFFFF  }
0x98: {  	s20 =	sld [smem:$0x3FDB];
	_ =	sdelay $0x1  }
0x99: {  	s4 =	simm.s32 $_scs_section_size  }
0x9a: {  	s5 =	simm.s32 $_size__tile_overlayer_lowered;
	s6 =	simm.s32 $_tile_overlayer_lowered  }
0x9b: {  	s7 =	simm.s32 $0x1BFF;
	s21 =	sshll.u32 s6, $0x1;
	s4 =	sadd.s32 s4, s20  }
0x9c: {  	s22 =	simm.s32 $0x0;
	s5 =	sshll.u32 s5, $0x1;
	s6 =	sadd.s32 s21, s4  }
0x9d: {  	[timem:s22], [sflag:s7] =	dma.local [hbm:s6], s5  }
0x9e: {  	_ =	swait.ge [sflag:s7], s5  }
0x9f: {  	s5 =	ssub.s32 $0x0, s5;
	[sflag:s7] =	ssyncset.done $0x0  }
0xa0: {  	[sflag:s7] =	ssyncadd.s32 s5;
	_ =	sdelay $0x1  }
0xa1: {  	s23 =	simm.s32 $0x1B8B  }
0xa2: {  	_ =	swait.ge [sflag:s23], $0x1  }
0xa3: {  	[sflag:s23] =	ssyncset.done $0x0  }
0xa4: {  	[sflag:s23] =	ssyncadd.s32 $0xFFFFFFFF  }
0xa5: {  	s5 =	sld [smem:$0x0]  }
0xa6: {  	s6 =	sand.u32 $0xFFFFFFFE, s1  }
0xa7: {  	p0 =	sne.s32 s1, s6  }
0xa8: {  	s6 =	sshll.u32 @p0 s6, $0xE  }
0xa9: {  	s6 =	sadd.s32 @p0 $0x11B8D, s6;
	s7 =	sshll.u32 @p0 s5, $0x11  }
0xaa: {  	s6 =	sor.u32 @p0 s7, s6  }
0xab: {  	[sflag:s6] =	ssyncadd.remote.s32 @p0 $0x1;
	_ =	sdelay $0x1  }
0xac: {  	s6 =	simm.s32 @p0 $0x1B8D  }
0xad: {  	_ =	swait.eq @p0 [sflag:s6], $0x1  }
0xae: {  	[sflag:s6] =	ssyncadd.s32 @p0 $0xFFFFFFFF  }
0xaf: {  	s7 =	sshll.u32 @!p0 s1, $0xE  }
0xb0: {  	s7 =	sor.u32 @!p0 $0x4000, s7;
	s6 =	simm.s32 @!p0 $0x1B8D  }
0xb1: {  	s5 =	sshll.u32 @!p0 s5, $0x11;
	s7 =	sadd.s32 @!p0 $0x11B8D, s7;
	_ =	swait.eq @!p0 [sflag:s6], $0x1  }
0xb2: {  	s5 =	sor.u32 @!p0 s5, s7;
	[sflag:s6] =	ssyncadd.s32 @!p0 $0xFFFFFFFF  }
0xb3: {  	s25 =	simm.s32 $0x1B8E;
	s24 =	sld [smem:$0x3FFE];
	[sflag:s5] =	ssyncadd.remote.s32 @!p0 $0x1  }
0xb4: {  	s26 =	simm.s32 $execute0_lowered;
	[smem:$0x3FD2] =	sst s25  }
0xb5: {  	s6 =	sshll.u32 s26, $0x1;
	_ =	strace $0x80000049;
	[dreg:$0x1] =	wrdreg $0xFFFFFFFF  }
0xb6: {  	s28 =	simm.s32 $_size_execute0_lowered;
	s4 =	sadd.s32 s4, s6;
	[dreg:$0x0] =	wrdreg $0x0  }
0xb7: {  	s6 =	sshll.u32 s28, $0x1;
	[dreg:$0x2] =	wrdreg s4  }
0xb8: {  	[dreg:$0x3] =	wrdreg s6  }
0xb9: {  	[dreg:$0x4] =	wrdreg $0xC0  }
0xba: {  	_ =	task [dreg:s22], $0x5FFFF  }
0xbb: {  	[dreg:$0x1] =	wrdreg $0xFFFFFFFF  }
0xbc: {  	[dreg:$0x0] =	wrdreg $0x60  }
0xbd: {  	[dreg:$0x2] =	wrdreg s18  }
0xbe: {  	[dreg:$0x3] =	wrdreg s24  }
0xbf: {  	[dreg:$0x4] =	wrdreg $0x68000  }
0xc0: {  	[dreg:$0x5] =	wrdreg $0x9  }
0xc1: {  	_ =	task.clear_ibuf [dreg:s22], $0x6FFFF;
	_ =	strace $0x90000049  }
0xc2: {  	s29 =	simm.s32 $0x9;
	_ =	strace $0x8000004B  }
0xc3: {  	_ =	swait.ge [sflag:s29], $0x1  }
0xc4: {  	[sflag:s29] =	ssyncadd.s32 $0xFFFFFFFF  }
0xc5: {  	_ =	strace $0x9000004B  }
0xc6: {  	_ =	sfence  }
0xc7: {  	s30 =	sld [smem:$0x0];
	_ =	sdelay $0x2  }
0xc8: {  	s31 =	sshll.u32 s1, $0xD;
	s1 =	sshrl.u32 s1, $0x2  }
0xc9: {  	s4 =	sand.u32 $0x4000, s31;
	s1 =	sadd.s32 s1, s30  }
0xca: {  	s0 =	sor.u32 s4, s0;
	s1 =	sshll.u32 s1, $0x11  }
0xcb: {  	s0 =	sor.u32 s1, s0  }
0xcc: {  	s0 =	sadd.s32 $0x8F2B, s0  }
0xcd: {  	[sflag:s0] =	ssyncadd.remote.s32 $0x1  }
0xce: {  	_ =	sfence.sel $0xFFFF  }
0xcf: {  	[dreg:$0x0] =	wrdreg $0xFFFFFFFF;
	(pc) =	sbr.abs _section_cstart, $3  }
0xd0: {  	[dreg:$0x1] =	wrdreg $0xFFFFFFFF  }
0xd1: {  	_ =	task.clear_ibuf [dreg:s22], $0x2FFFF;
	_ =	strace $0x9FFFFFFF  }
0xd2: {  	(tm) =	ssettm $0x7FFFFFFF  }
0xd3: {  	_ =	shalt  }
tec
execute0_lowered:
.L_overlay_start_1:
0x0: {  	(tag) =	ssettag $0x1  }
0x1: {  	s5 =	rddreg [dreg:$0x0]  }
0x2: {  	s6 =	rddreg [dreg:$0x1]  }
0x3: {  	s2 =	rddreg [dreg:$0x2]  }
0x4: {  	s0 =	stileid.u32;
	s4 =	srdreg.scid  }
0x5: {  	s1 =	rddreg [dreg:$0x3];
	s3 =	simm.s32 $0x0;
	s13 =	simm.s32 $0x80  }
0x6: {  	s14 =	simm.s32 $0x0;
	s7 =	smul.u32 $0x14000, s0;
	s8 =	sand.u32 $0x1, s4  }
0x7: {  	[smem:$0x7FF] =	sst s3;
	s4 =	sadd.s32 $0xAC600, s6;
	s11 =	smul.u32 $0x50000, s0  }
0x8: {  	s31 =	sshll.u32 s0, $0x6;
	s9 =	smul.u32 $0x140000, s8;
	_ =	strace $0x8000004A  }
0x9: {  	s28 =	sshll.u32 s8, $0x4;
	s8 =	ssub.s32 $0x2, s8;
	s26 =	sshrl.u32 s7, $0x3  }
0xa: {  	s12 =	sshrl.u32 s8, $0x1;
	s29 =	sshrl.u32 s11, $0x2;
	s11 =	sor.u32 $0x1C01, s31  }
0xb: {  	s10 =	sadd.s32 s26, s6;
	s7 =	sadd.s32 s7, s9;
	s9 =	sor.u32 s0, s28  }
0xc: {  	s8 =	ssub.s32 s8, s12;
	s30 =	sadd.s32 s29, s2;
	s7 =	sshrl.u32 s7, $0x3  }
0xd: {  	s9 =	smul.u32 $0x500, s9;
	s8 =	smax.u32 s8, $0x1;
	s12 =	sshrl.u32 s30, $0x3  }
0xe: {  	s7 =	sadd.s32 s7, s6;
	s6 =	sadd.s32 $0x34600, s10;
	s10 =	simm.s32 $0x2800  }
0xf: {  	s5 =	sadd.s32 s5, s9;
	s7 =	sadd.s32 $0xACE00, s7;
	s9 =	simm.s32 $0x1  }
.LBB2_1:
0x10: {  	[tilespmem:s3], [sflag:$0x1] =	stream.linear.gather [hbm4b:s5+s3], $0x2780, $0x38;
	[tilespmem:$0x1A800] =	vst v63  }
0x11: {  	_ =	swait.ge [sflag:s9], $0x2780  }
0x12: {  	[sflag:s9] =	ssyncset.done $0x0  }
0x13: {  	[sflag:s9] =	ssyncadd.s32 $0xFFFFD880  }
0x14: {  	[tilespmem:s10], [sflag:$0x1] =	stream.linear.gather [hbm4b:s4+s3], $0x4000, $0x38;
	[tilespmem:$0x1A800] =	vst v63  }
0x15: {  	_ =	swait.ge [sflag:s9], $0x4000  }
0x16: {  	[sflag:s9] =	ssyncset.done $0x0  }
0x17: {  	[sflag:s9] =	ssyncadd.s32 $0xFFFFC000  }
0x18: {  	[spmem:s12], [sflag:s11] =	dma.local [hbm:s6], $0x2800  }
0x19: {  	_ =	swait.ge [sflag:s9], $0x2800  }
0x1a: {  	[sflag:s9] =	ssyncset.done $0x0  }
0x1b: {  	[sflag:s9] =	ssyncadd.s32 $0xFFFFD800  }
0x1c: {  	s15 =	simm.s32 $0x0;
	[bflag:$0x0] =	sbarrier.arrive $0xFFFF  }
0x1d: {  	[spmem:s2] =	stream.indirect.scatter.add.f32 [tilespmem:s10], [sflag:$0x1], $0x80, s15, s13, $0xb8;
	[tilespmem:$0x1A800] =	vst v63  }
0x1e: {  	_ =	swait.ge [sflag:s9], $0x4000  }
0x1f: {  	s15 =	simm.s32 $0x200;
	[sflag:s9] =	ssyncset.done $0x0  }
.LBB2_2:
0x20: {  	s16 =	sshra.s32 s15, $0x2;
	[sflag:s9] =	ssyncadd.s32 $0xFFFFC000;
	p0 =	sne.s32 s15, $0x9C00  }
0x21: {  	[spmem:s2] =	stream.indirect.scatter.add.f32 [tilespmem:s10], [sflag:$0x1], $0x80, s16, s13, $0xb8;
	[tilespmem:$0x1A800] =	vst v63  }
.Ltmp0:
0x22: {  	_ = 	snop;
	(pc) =	sbr.rel @p0 .LBB2_2-.Ltmp0, $4  }
0x23: {  	_ = 	snop  }
0x24: {  	s15 =	sadd.s32 $0x200, s15  }
0x25: {  	_ =	swait.ge [sflag:s9], $0x4000  }
0x26: {  	[sflag:s9] =	ssyncset.done $0x0  }
0x27: {  	s14 =	sadd.s32 $0x1, s14  }
0x28: {  	[sflag:s9] =	ssyncadd.s32 $0xFFFFC000;
	p0 =	sne.s32 s14, s8  }
.Ltmp1:
0x29: {  	[bflag:$0x0] =	sbarrier.arrive $0xFFFF;
	(pc) =	sbr.rel @p0 .LBB2_1-.Ltmp1, $4  }
0x2a: {  	[hbm:s7], [sflag:s11] =	dma.local [spmem:s12], $0x2800  }
0x2b: {  	_ =	swait.ge [sflag:s9], $0x2800  }
0x2c: {  	[sflag:s9] =	ssyncset.done $0x0  }
0x2d: {  	[sflag:s9] =	ssyncadd.s32 $0xFFFFD800  }
0x2e: {  	_ =	sfence.sel $0x180000  }
0x2f: {  	[bflag:$0x0] =	sbarrier.arrive $0xFFFF  }
0x30: {  	p0 =	sne.s32 s0, $0x0;
	_ =	strace $0x9000004A  }
0x31: {  	s0 =	sadd.s32 @!p0 $0x100000, s1;
	[bflag:$0x2] =	sbarrier.arrive $0xFFFF  }
0x32: {  	[sflag:s0] =	ssyncadd.tile.s32 @!p0 $0x1;
	_ =	shalt  }
.Lfunc_end2:
_tile_overlayer_lowered:
.L_overlay_start_2:
0x33: {  	(tag) =	ssettag $0x2  }
0x34: {  	s0 =	rddreg [dreg:$0x0];
	s2 =	stileid.u32  }
0x35: {  	s1 =	rddreg [dreg:$0x1];
	p0 =	sne.s32 s2, $0x0  }
0x36: {  	s3 =	rddreg [dreg:$0x2];
	[bflag:$0x3] =	sbarrier.arrive $0xFFFF;
	s2 =	simm.s32 @!p0 $0x1C01  }
0x37: {  	[timem:s3], [sflag:s2] =	dma.local @!p0 [hbm:s0], s1  }
0x38: {  	s0 =	simm.s32 @!p0 $0x1  }
0x39: {  	_ =	swait.ge @!p0 [sflag:s0], s1  }
0x3a: {  	s1 =	ssub.s32 @!p0 $0x0, s1;
	[sflag:s0] =	ssyncset.done @!p0 $0x0  }
0x3b: {  	[sflag:s0] =	ssyncadd.s32 @!p0 s1  }
0x3c: {  	[bflag:$0x3] =	sbarrier.arrive $0xFFFF  }
0x3d: {  	_ =	shalt  }

</sc_bundles>
